<compile_context>
chip_gen: v7x
topology: tpu7x:2x2x1
jax: 0.10.2.dev20260603
libtpu: 0.0.44.dev20260713+nightly
codegen_flags: <defaults>
</compile_context>

<pallas_src>
import functools

import jax
import jax.numpy as jnp
from jax import lax
from jax.experimental import pallas as pl
from jax.experimental.pallas import tpu as pltpu
from jax.experimental.pallas import tpu_sc as plsc

_BATCH = 16384
_FDIM = 2048
_MASK = 256
_BR = 1024

_NS = 16


def _mask_sc_kernel(idx_hbm, mask_hbm, idx_v, mask_v):
    wid = lax.axis_index("c") * _NS + lax.axis_index("s")

    @pl.when(wid == 0)
    def _():
        pltpu.sync_copy(idx_hbm, idx_v)
        ones16 = jnp.ones((16,), jnp.float32)
        zeros16 = jnp.zeros((16,), jnp.float32)
        for i in range(_FDIM // 16):
            mask_v[pl.ds(i * 16, 16)] = ones16
        for k in range(_MASK // 16):
            plsc.store_scatter(mask_v, [idx_v[pl.ds(k * 16, 16)]], zeros16)
        pltpu.sync_copy(mask_v, mask_hbm)


def _sc_mask(mask_indices):
    mesh = plsc.VectorSubcoreMesh(core_axis_name="c", subcore_axis_name="s")
    f = functools.partial(
        pl.kernel,
        mesh=mesh,
        out_type=jax.ShapeDtypeStruct((_FDIM,), jnp.float32),
        scratch_types=[
            pltpu.VMEM((_MASK,), jnp.int32),
            pltpu.VMEM((_FDIM,), jnp.float32),
        ],
        compiler_params=pltpu.CompilerParams(needs_layout_passes=False),
    )(_mask_sc_kernel)
    return f(mask_indices)


def _tc_body(x_ref, m_ref, o_ref):
    o_ref[...] = x_ref[...] * m_ref[...]


def _tc_call(x, mask_row):
    grid = (_BATCH // _BR,)
    return pl.pallas_call(
        _tc_body,
        grid=grid,
        in_specs=[
            pl.BlockSpec((_BR, _FDIM), lambda i: (i, 0)),
            pl.BlockSpec((1, _FDIM), lambda i: (0, 0)),
        ],
        out_specs=pl.BlockSpec((_BR, _FDIM), lambda i: (i, 0)),
        out_shape=jax.ShapeDtypeStruct((_BATCH, _FDIM), jnp.float32),
        compiler_params=pltpu.CompilerParams(
            dimension_semantics=("arbitrary",),
        ),
    )(x, mask_row)


def kernel(x, mask_indices):
    mask = _sc_mask(mask_indices)
    return _tc_call(x, mask.reshape(1, _FDIM))

# --- scband reference (transcript-rebuilt; emitter-appended) ---
"""Pipeline reference for scband-feature-masking-28870770164171 (READ-ONLY COPY).

The authoritative reference and input builder live on the scoring server;
editing this copy changes nothing except your own understanding.
"""

import jax, jax.numpy as jnp
import numpy as np

MASK_NUM = 256
BATCH = 16384
FEATURE_DIM = 2048


def setup_inputs(seed: int = 0) -> dict:
    key = jax.random.key(seed)
    kx, kp = jax.random.split(key)
    x = jax.random.normal(kx, (BATCH, FEATURE_DIM), dtype=jnp.float32)
    # torch.randperm(feature_dim)[:mask_num] -> fixed random permutation prefix
    perm = jax.random.permutation(kp, FEATURE_DIM)
    mask_indices = perm[:MASK_NUM].astype(jnp.int32)
    return {"x": x, "mask_indices": mask_indices}


def reference(x, mask_indices):
    # x_clone = x.clone(); x_clone[:, mask_indices] = 0
    # scatter-overwrite of selected feature columns
    return x.at[:, mask_indices].set(0.0)

if __name__ == "__main__":
    import jax
    _d = setup_inputs()
    print(jax.jit(kernel)(*tuple(_d.values())))

</pallas_src>

<mosaic_0001>
#map = affine_map<(d0, d1) -> (0)>
module attributes {stable_mosaic.version = 14 : i64} {
  func.func @_mask_sc_kernel(%arg0: i32, %arg1: i32, %arg2: memref<256xi32, #tpu.memory_space<hbm>>, %arg3: memref<2048xf32, #tpu.memory_space<hbm>>, %arg4: memref<256xi32, #tpu.memory_space<vmem>>, %arg5: memref<2048xf32, #tpu.memory_space<vmem>>) attributes {dimension_semantics = [#tpu.dimension_semantics<core_parallel>, #tpu.dimension_semantics<subcore_parallel>], iteration_bounds = array<i64: 2, 16>, scalar_prefetch = 0 : i64, scratch_operands = 2 : i64, tpu.core_type = #tpu.core_type<sc_vector_subcore>, window_params = [{transform_indices = #map}, {transform_indices = #map}]} {
    %mul3A = arith.constant 16 : i32
    %mul3A_0 = arith.muli %arg0, %mul3A : i32
    %add3A = arith.addi %mul3A_0, %arg1 : i32
    %eq3A = arith.constant 0 : i32
    %eq3A_1 = arith.cmpi eq, %add3A, %eq3A : i32
    %convert_element_type3A = arith.extui %eq3A_1 : i1 to i32
    %cond3A = arith.constant 0 : i32
    %cond3A_2 = arith.cmpi ne, %convert_element_type3A, %cond3A : i32
    scf.if %cond3A_2 {
      "tpu.region"() ({
        %run_scoped3A = tpu.sem_alloc : memref<!tpu.dma_semaphore, #tpu.memory_space<semaphore_mem>>
        tpu.enqueue_dma source(%arg2 : memref<256xi32, #tpu.memory_space<hbm>>) target(%arg4 : memref<256xi32, #tpu.memory_space<vmem>>) target_semaphore(%run_scoped3A : memref<!tpu.dma_semaphore, #tpu.memory_space<semaphore_mem>>)
        tpu.wait_dma2 semaphore(%run_scoped3A : memref<!tpu.dma_semaphore, #tpu.memory_space<semaphore_mem>>) src(%arg2 : memref<256xi32, #tpu.memory_space<hbm>>) dst(%arg4 : memref<256xi32, #tpu.memory_space<vmem>>)
        tpu.yield
      }) : () -> ()
      %broadcast_in_dim3A = arith.constant 1.000000e+00 : f32
      %broadcast_in_dim3A_3 = vector.broadcast %broadcast_in_dim3A : f32 to vector<16xf32>
      %broadcast_in_dim3A_4 = arith.constant 0.000000e+00 : f32
      %broadcast_in_dim3A_5 = vector.broadcast %broadcast_in_dim3A_4 : f32 to vector<16xf32>
      %swap3A = arith.constant 0 : index
      %swap3A_6 = tpu.vector_load %arg5[%swap3A] {strides = array<i32>} : memref<2048xf32, #tpu.memory_space<vmem>>, vector<16xf32>,
      tpu.vector_store %arg5[%swap3A], %broadcast_in_dim3A_3 {strides = array<i32>} : memref<2048xf32, #tpu.memory_space<vmem>>, vector<16xf32>,
      %swap3A_7 = arith.constant 16 : index
      %swap3A_8 = tpu.vector_load %arg5[%swap3A_7] {strides = array<i32>} : memref<2048xf32, #tpu.memory_space<vmem>>, vector<16xf32>,
      tpu.vector_store %arg5[%swap3A_7], %broadcast_in_dim3A_3 {strides = array<i32>} : memref<2048xf32, #tpu.memory_space<vmem>>, vector<16xf32>,
      %swap3A_9 = arith.constant 32 : index
      %swap3A_10 = tpu.vector_load %arg5[%swap3A_9] {strides = array<i32>} : memref<2048xf32, #tpu.memory_space<vmem>>, vector<16xf32>,
      tpu.vector_store %arg5[%swap3A_9], %broadcast_in_dim3A_3 {strides = array<i32>} : memref<2048xf32, #tpu.memory_space<vmem>>, vector<16xf32>,
      %swap3A_11 = arith.constant 48 : index
      %swap3A_12 = tpu.vector_load %arg5[%swap3A_11] {strides = array<i32>} : memref<2048xf32, #tpu.memory_space<vmem>>, vector<16xf32>,
      tpu.vector_store %arg5[%swap3A_11], %broadcast_in_dim3A_3 {strides = array<i32>} : memref<2048xf32, #tpu.memory_space<vmem>>, vector<16xf32>,
      %swap3A_13 = arith.constant 64 : index
      %swap3A_14 = tpu.vector_load %arg5[%swap3A_13] {strides = array<i32>} : memref<2048xf32, #tpu.memory_space<vmem>>, vector<16xf32>,
      tpu.vector_store %arg5[%swap3A_13], %broadcast_in_dim3A_3 {strides = array<i32>} : memref<2048xf32, #tpu.memory_space<vmem>>, vector<16xf32>,
      %swap3A_15 = arith.constant 80 : index
      %swap3A_16 = tpu.vector_load %arg5[%swap3A_15] {strides = array<i32>} : memref<2048xf32, #tpu.memory_space<vmem>>, vector<16xf32>,
      tpu.vector_store %arg5[%swap3A_15], %broadcast_in_dim3A_3 {strides = array<i32>} : memref<2048xf32, #tpu.memory_space<vmem>>, vector<16xf32>,
      %swap3A_17 = arith.constant 96 : index
      %swap3A_18 = tpu.vector_load %arg5[%swap3A_17] {strides = array<i32>} : memref<2048xf32, #tpu.memory_space<vmem>>, vector<16xf32>,
      tpu.vector_store %arg5[%swap3A_17], %broadcast_in_dim3A_3 {strides = array<i32>} : memref<2048xf32, #tpu.memory_space<vmem>>, vector<16xf32>,
      %swap3A_19 = arith.constant 112 : index
      %swap3A_20 = tpu.vector_load %arg5[%swap3A_19] {strides = array<i32>} : memref<2048xf32, #tpu.memory_space<vmem>>, vector<16xf32>,
      tpu.vector_store %arg5[%swap3A_19], %broadcast_in_dim3A_3 {strides = array<i32>} : memref<2048xf32, #tpu.memory_space<vmem>>, vector<16xf32>,
      %swap3A_21 = arith.constant 128 : index
      %swap3A_22 = tpu.vector_load %arg5[%swap3A_21] {strides = array<i32>} : memref<2048xf32, #tpu.memory_space<vmem>>, vector<16xf32>,
      tpu.vector_store %arg5[%swap3A_21], %broadcast_in_dim3A_3 {strides = array<i32>} : memref<2048xf32, #tpu.memory_space<vmem>>, vector<16xf32>,
      %swap3A_23 = arith.constant 144 : index
      %swap3A_24 = tpu.vector_load %arg5[%swap3A_23] {strides = array<i32>} : memref<2048xf32, #tpu.memory_space<vmem>>, vector<16xf32>,
      tpu.vector_store %arg5[%swap3A_23], %broadcast_in_dim3A_3 {strides = array<i32>} : memref<2048xf32, #tpu.memory_space<vmem>>, vector<16xf32>,
      %swap3A_25 = arith.constant 160 : index
      %swap3A_26 = tpu.vector_load %arg5[%swap3A_25] {strides = array<i32>} : memref<2048xf32, #tpu.memory_space<vmem>>, vector<16xf32>,
      tpu.vector_store %arg5[%swap3A_25], %broadcast_in_dim3A_3 {strides = array<i32>} : memref<2048xf32, #tpu.memory_space<vmem>>, vector<16xf32>,
      %swap3A_27 = arith.constant 176 : index
      %swap3A_28 = tpu.vector_load %arg5[%swap3A_27] {strides = array<i32>} : memref<2048xf32, #tpu.memory_space<vmem>>, vector<16xf32>,
      tpu.vector_store %arg5[%swap3A_27], %broadcast_in_dim3A_3 {strides = array<i32>} : memref<2048xf32, #tpu.memory_space<vmem>>, vector<16xf32>,
      %swap3A_29 = arith.constant 192 : index
      %swap3A_30 = tpu.vector_load %arg5[%swap3A_29] {strides = array<i32>} : memref<2048xf32, #tpu.memory_space<vmem>>, vector<16xf32>,
      tpu.vector_store %arg5[%swap3A_29], %broadcast_in_dim3A_3 {strides = array<i32>} : memref<2048xf32, #tpu.memory_space<vmem>>, vector<16xf32>,
      %swap3A_31 = arith.constant 208 : index
      %swap3A_32 = tpu.vector_load %arg5[%swap3A_31] {strides = array<i32>} : memref<2048xf32, #tpu.memory_space<vmem>>, vector<16xf32>,
      tpu.vector_store %arg5[%swap3A_31], %broadcast_in_dim3A_3 {strides = array<i32>} : memref<2048xf32, #tpu.memory_space<vmem>>, vector<16xf32>,
      %swap3A_33 = arith.constant 224 : index
      %swap3A_34 = tpu.vector_load %arg5[%swap3A_33] {strides = array<i32>} : memref<2048xf32, #tpu.memory_space<vmem>>, vector<16xf32>,
      tpu.vector_store %arg5[%swap3A_33], %broadcast_in_dim3A_3 {strides = array<i32>} : memref<2048xf32, #tpu.memory_space<vmem>>, vector<16xf32>,
      %swap3A_35 = arith.constant 240 : index
      %swap3A_36 = tpu.vector_load %arg5[%swap3A_35] {strides = array<i32>} : memref<2048xf32, #tpu.memory_space<vmem>>, vector<16xf32>,
      tpu.vector_store %arg5[%swap3A_35], %broadcast_in_dim3A_3 {strides = array<i32>} : memref<2048xf32, #tpu.memory_space<vmem>>, vector<16xf32>,
      %swap3A_37 = arith.constant 256 : index
      %swap3A_38 = tpu.vector_load %arg5[%swap3A_37] {strides = array<i32>} : memref<2048xf32, #tpu.memory_space<vmem>>, vector<16xf32>,
      tpu.vector_store %arg5[%swap3A_37], %broadcast_in_dim3A_3 {strides = array<i32>} : memref<2048xf32, #tpu.memory_space<vmem>>, vector<16xf32>,
      %swap3A_39 = arith.constant 272 : index
      %swap3A_40 = tpu.vector_load %arg5[%swap3A_39] {strides = array<i32>} : memref<2048xf32, #tpu.memory_space<vmem>>, vector<16xf32>,
      tpu.vector_store %arg5[%swap3A_39], %broadcast_in_dim3A_3 {strides = array<i32>} : memref<2048xf32, #tpu.memory_space<vmem>>, vector<16xf32>,
      %swap3A_41 = arith.constant 288 : index
      %swap3A_42 = tpu.vector_load %arg5[%swap3A_41] {strides = array<i32>} : memref<2048xf32, #tpu.memory_space<vmem>>, vector<16xf32>,
      tpu.vector_store %arg5[%swap3A_41], %broadcast_in_dim3A_3 {strides = array<i32>} : memref<2048xf32, #tpu.memory_space<vmem>>, vector<16xf32>,
      %swap3A_43 = arith.constant 304 : index
      %swap3A_44 = tpu.vector_load %arg5[%swap3A_43] {strides = array<i32>} : memref<2048xf32, #tpu.memory_space<vmem>>, vector<16xf32>,
      tpu.vector_store %arg5[%swap3A_43], %broadcast_in_dim3A_3 {strides = array<i32>} : memref<2048xf32, #tpu.memory_space<vmem>>, vector<16xf32>,
      %swap3A_45 = arith.constant 320 : index
      %swap3A_46 = tpu.vector_load %arg5[%swap3A_45] {strides = array<i32>} : memref<2048xf32, #tpu.memory_space<vmem>>, vector<16xf32>,
      tpu.vector_store %arg5[%swap3A_45], %broadcast_in_dim3A_3 {strides = array<i32>} : memref<2048xf32, #tpu.memory_space<vmem>>, vector<16xf32>,
      %swap3A_47 = arith.constant 336 : index
      %swap3A_48 = tpu.vector_load %arg5[%swap3A_47] {strides = array<i32>} : memref<2048xf32, #tpu.memory_space<vmem>>, vector<16xf32>,
      tpu.vector_store %arg5[%swap3A_47], %broadcast_in_dim3A_3 {strides = array<i32>} : memref<2048xf32, #tpu.memory_space<vmem>>, vector<16xf32>,
      %swap3A_49 = arith.constant 352 : index
      %swap3A_50 = tpu.vector_load %arg5[%swap3A_49] {strides = array<i32>} : memref<2048xf32, #tpu.memory_space<vmem>>, vector<16xf32>,
      tpu.vector_store %arg5[%swap3A_49], %broadcast_in_dim3A_3 {strides = array<i32>} : memref<2048xf32, #tpu.memory_space<vmem>>, vector<16xf32>,
      %swap3A_51 = arith.constant 368 : index
      %swap3A_52 = tpu.vector_load %arg5[%swap3A_51] {strides = array<i32>} : memref<2048xf32, #tpu.memory_space<vmem>>, vector<16xf32>,
      tpu.vector_store %arg5[%swap3A_51], %broadcast_in_dim3A_3 {strides = array<i32>} : memref<2048xf32, #tpu.memory_space<vmem>>, vector<16xf32>,
      %swap3A_53 = arith.constant 384 : index
      %swap3A_54 = tpu.vector_load %arg5[%swap3A_53] {strides = array<i32>} : memref<2048xf32, #tpu.memory_space<vmem>>, vector<16xf32>,
      tpu.vector_store %arg5[%swap3A_53], %broadcast_in_dim3A_3 {strides = array<i32>} : memref<2048xf32, #tpu.memory_space<vmem>>, vector<16xf32>,
      %swap3A_55 = arith.constant 400 : index
      %swap3A_56 = tpu.vector_load %arg5[%swap3A_55] {strides = array<i32>} : memref<2048xf32, #tpu.memory_space<vmem>>, vector<16xf32>,
      tpu.vector_store %arg5[%swap3A_55], %broadcast_in_dim3A_3 {strides = array<i32>} : memref<2048xf32, #tpu.memory_space<vmem>>, vector<16xf32>,
      %swap3A_57 = arith.constant 416 : index
      %swap3A_58 = tpu.vector_load %arg5[%swap3A_57] {strides = array<i32>} : memref<2048xf32, #tpu.memory_space<vmem>>, vector<16xf32>,
      tpu.vector_store %arg5[%swap3A_57], %broadcast_in_dim3A_3 {strides = array<i32>} : memref<2048xf32, #tpu.memory_space<vmem>>, vector<16xf32>,
      %swap3A_59 = arith.constant 432 : index
      %swap3A_60 = tpu.vector_load %arg5[%swap3A_59] {strides = array<i32>} : memref<2048xf32, #tpu.memory_space<vmem>>, vector<16xf32>,
      tpu.vector_store %arg5[%swap3A_59], %broadcast_in_dim3A_3 {strides = array<i32>} : memref<2048xf32, #tpu.memory_space<vmem>>, vector<16xf32>,
      %swap3A_61 = arith.constant 448 : index
      %swap3A_62 = tpu.vector_load %arg5[%swap3A_61] {strides = array<i32>} : memref<2048xf32, #tpu.memory_space<vmem>>, vector<16xf32>,
      tpu.vector_store %arg5[%swap3A_61], %broadcast_in_dim3A_3 {strides = array<i32>} : memref<2048xf32, #tpu.memory_space<vmem>>, vector<16xf32>,
      %swap3A_63 = arith.constant 464 : index
      %swap3A_64 = tpu.vector_load %arg5[%swap3A_63] {strides = array<i32>} : memref<2048xf32, #tpu.memory_space<vmem>>, vector<16xf32>,
      tpu.vector_store %arg5[%swap3A_63], %broadcast_in_dim3A_3 {strides = array<i32>} : memref<2048xf32, #tpu.memory_space<vmem>>, vector<16xf32>,
      %swap3A_65 = arith.constant 480 : index
      %swap3A_66 = tpu.vector_load %arg5[%swap3A_65] {strides = array<i32>} : memref<2048xf32, #tpu.memory_space<vmem>>, vector<16xf32>,
      tpu.vector_store %arg5[%swap3A_65], %broadcast_in_dim3A_3 {strides = array<i32>} : memref<2048xf32, #tpu.memory_space<vmem>>, vector<16xf32>,
      %swap3A_67 = arith.constant 496 : index
      %swap3A_68 = tpu.vector_load %arg5[%swap3A_67] {strides = array<i32>} : memref<2048xf32, #tpu.memory_space<vmem>>, vector<16xf32>,
      tpu.vector_store %arg5[%swap3A_67], %broadcast_in_dim3A_3 {strides = array<i32>} : memref<2048xf32, #tpu.memory_space<vmem>>, vector<16xf32>,
      %swap3A_69 = arith.constant 512 : index
      %swap3A_70 = tpu.vector_load %arg5[%swap3A_69] {strides = array<i32>} : memref<2048xf32, #tpu.memory_space<vmem>>, vector<16xf32>,
      tpu.vector_store %arg5[%swap3A_69], %broadcast_in_dim3A_3 {strides = array<i32>} : memref<2048xf32, #tpu.memory_space<vmem>>, vector<16xf32>,
      %swap3A_71 = arith.constant 528 : index
      %swap3A_72 = tpu.vector_load %arg5[%swap3A_71] {strides = array<i32>} : memref<2048xf32, #tpu.memory_space<vmem>>, vector<16xf32>,
      tpu.vector_store %arg5[%swap3A_71], %broadcast_in_dim3A_3 {strides = array<i32>} : memref<2048xf32, #tpu.memory_space<vmem>>, vector<16xf32>,
      %swap3A_73 = arith.constant 544 : index
      %swap3A_74 = tpu.vector_load %arg5[%swap3A_73] {strides = array<i32>} : memref<2048xf32, #tpu.memory_space<vmem>>, vector<16xf32>,
      tpu.vector_store %arg5[%swap3A_73], %broadcast_in_dim3A_3 {strides = array<i32>} : memref<2048xf32, #tpu.memory_space<vmem>>, vector<16xf32>,
      %swap3A_75 = arith.constant 560 : index
      %swap3A_76 = tpu.vector_load %arg5[%swap3A_75] {strides = array<i32>} : memref<2048xf32, #tpu.memory_space<vmem>>, vector<16xf32>,
      tpu.vector_store %arg5[%swap3A_75], %broadcast_in_dim3A_3 {strides = array<i32>} : memref<2048xf32, #tpu.memory_space<vmem>>, vector<16xf32>,
      %swap3A_77 = arith.constant 576 : index
      %swap3A_78 = tpu.vector_load %arg5[%swap3A_77] {strides = array<i32>} : memref<2048xf32, #tpu.memory_space<vmem>>, vector<16xf32>,
      tpu.vector_store %arg5[%swap3A_77], %broadcast_in_dim3A_3 {strides = array<i32>} : memref<2048xf32, #tpu.memory_space<vmem>>, vector<16xf32>,
      %swap3A_79 = arith.constant 592 : index
      %swap3A_80 = tpu.vector_load %arg5[%swap3A_79] {strides = array<i32>} : memref<2048xf32, #tpu.memory_space<vmem>>, vector<16xf32>,
      tpu.vector_store %arg5[%swap3A_79], %broadcast_in_dim3A_3 {strides = array<i32>} : memref<2048xf32, #tpu.memory_space<vmem>>, vector<16xf32>,
      %swap3A_81 = arith.constant 608 : index
      %swap3A_82 = tpu.vector_load %arg5[%swap3A_81] {strides = array<i32>} : memref<2048xf32, #tpu.memory_space<vmem>>, vector<16xf32>,
      tpu.vector_store %arg5[%swap3A_81], %broadcast_in_dim3A_3 {strides = array<i32>} : memref<2048xf32, #tpu.memory_space<vmem>>, vector<16xf32>,
      %swap3A_83 = arith.constant 624 : index
      %swap3A_84 = tpu.vector_load %arg5[%swap3A_83] {strides = array<i32>} : memref<2048xf32, #tpu.memory_space<vmem>>, vector<16xf32>,
      tpu.vector_store %arg5[%swap3A_83], %broadcast_in_dim3A_3 {strides = array<i32>} : memref<2048xf32, #tpu.memory_space<vmem>>, vector<16xf32>,
      %swap3A_85 = arith.constant 640 : index
      %swap3A_86 = tpu.vector_load %arg5[%swap3A_85] {strides = array<i32>} : memref<2048xf32, #tpu.memory_space<vmem>>, vector<16xf32>,
      tpu.vector_store %arg5[%swap3A_85], %broadcast_in_dim3A_3 {strides = array<i32>} : memref<2048xf32, #tpu.memory_space<vmem>>, vector<16xf32>,
      %swap3A_87 = arith.constant 656 : index
      %swap3A_88 = tpu.vector_load %arg5[%swap3A_87] {strides = array<i32>} : memref<2048xf32, #tpu.memory_space<vmem>>, vector<16xf32>,
      tpu.vector_store %arg5[%swap3A_87], %broadcast_in_dim3A_3 {strides = array<i32>} : memref<2048xf32, #tpu.memory_space<vmem>>, vector<16xf32>,
      %swap3A_89 = arith.constant 672 : index
      %swap3A_90 = tpu.vector_load %arg5[%swap3A_89] {strides = array<i32>} : memref<2048xf32, #tpu.memory_space<vmem>>, vector<16xf32>,
      tpu.vector_store %arg5[%swap3A_89], %broadcast_in_dim3A_3 {strides = array<i32>} : memref<2048xf32, #tpu.memory_space<vmem>>, vector<16xf32>,
      %swap3A_91 = arith.constant 688 : index
      %swap3A_92 = tpu.vector_load %arg5[%swap3A_91] {strides = array<i32>} : memref<2048xf32, #tpu.memory_space<vmem>>, vector<16xf32>,
      tpu.vector_store %arg5[%swap3A_91], %broadcast_in_dim3A_3 {strides = array<i32>} : memref<2048xf32, #tpu.memory_space<vmem>>, vector<16xf32>,
      %swap3A_93 = arith.constant 704 : index
      %swap3A_94 = tpu.vector_load %arg5[%swap3A_93] {strides = array<i32>} : memref<2048xf32, #tpu.memory_space<vmem>>, vector<16xf32>,
      tpu.vector_store %arg5[%swap3A_93], %broadcast_in_dim3A_3 {strides = array<i32>} : memref<2048xf32, #tpu.memory_space<vmem>>, vector<16xf32>,
      %swap3A_95 = arith.constant 720 : index
      %swap3A_96 = tpu.vector_load %arg5[%swap3A_95] {strides = array<i32>} : memref<2048xf32, #tpu.memory_space<vmem>>, vector<16xf32>,
      tpu.vector_store %arg5[%swap3A_95], %broadcast_in_dim3A_3 {strides = array<i32>} : memref<2048xf32, #tpu.memory_space<vmem>>, vector<16xf32>,
      %swap3A_97 = arith.constant 736 : index
      %swap3A_98 = tpu.vector_load %arg5[%swap3A_97] {strides = array<i32>} : memref<2048xf32, #tpu.memory_space<vmem>>, vector<16xf32>,
      tpu.vector_store %arg5[%swap3A_97], %broadcast_in_dim3A_3 {strides = array<i32>} : memref<2048xf32, #tpu.memory_space<vmem>>, vector<16xf32>,
      %swap3A_99 = arith.constant 752 : index
      %swap3A_100 = tpu.vector_load %arg5[%swap3A_99] {strides = array<i32>} : memref<2048xf32, #tpu.memory_space<vmem>>, vector<16xf32>,
      tpu.vector_store %arg5[%swap3A_99], %broadcast_in_dim3A_3 {strides = array<i32>} : memref<2048xf32, #tpu.memory_space<vmem>>, vector<16xf32>,
      %swap3A_101 = arith.constant 768 : index
      %swap3A_102 = tpu.vector_load %arg5[%swap3A_101] {strides = array<i32>} : memref<2048xf32, #tpu.memory_space<vmem>>, vector<16xf32>,
      tpu.vector_store %arg5[%swap3A_101], %broadcast_in_dim3A_3 {strides = array<i32>} : memref<2048xf32, #tpu.memory_space<vmem>>, vector<16xf32>,
      %swap3A_103 = arith.constant 784 : index
      %swap3A_104 = tpu.vector_load %arg5[%swap3A_103] {strides = array<i32>} : memref<2048xf32, #tpu.memory_space<vmem>>, vector<16xf32>,
      tpu.vector_store %arg5[%swap3A_103], %broadcast_in_dim3A_3 {strides = array<i32>} : memref<2048xf32, #tpu.memory_space<vmem>>, vector<16xf32>,
      %swap3A_105 = arith.constant 800 : index
      %swap3A_106 = tpu.vector_load %arg5[%swap3A_105] {strides = array<i32>} : memref<2048xf32, #tpu.memory_space<vmem>>, vector<16xf32>,
      tpu.vector_store %arg5[%swap3A_105], %broadcast_in_dim3A_3 {strides = array<i32>} : memref<2048xf32, #tpu.memory_space<vmem>>, vector<16xf32>,
      %swap3A_107 = arith.constant 816 : index
      %swap3A_108 = tpu.vector_load %arg5[%swap3A_107] {strides = array<i32>} : memref<2048xf32, #tpu.memory_space<vmem>>, vector<16xf32>,
      tpu.vector_store %arg5[%swap3A_107], %broadcast_in_dim3A_3 {strides = array<i32>} : memref<2048xf32, #tpu.memory_space<vmem>>, vector<16xf32>,
      %swap3A_109 = arith.constant 832 : index
      %swap3A_110 = tpu.vector_load %arg5[%swap3A_109] {strides = array<i32>} : memref<2048xf32, #tpu.memory_space<vmem>>, vector<16xf32>,
      tpu.vector_store %arg5[%swap3A_109], %broadcast_in_dim3A_3 {strides = array<i32>} : memref<2048xf32, #tpu.memory_space<vmem>>, vector<16xf32>,
      %swap3A_111 = arith.constant 848 : index
      %swap3A_112 = tpu.vector_load %arg5[%swap3A_111] {strides = array<i32>} : memref<2048xf32, #tpu.memory_space<vmem>>, vector<16xf32>,
      tpu.vector_store %arg5[%swap3A_111], %broadcast_in_dim3A_3 {strides = array<i32>} : memref<2048xf32, #tpu.memory_space<vmem>>, vector<16xf32>,
      %swap3A_113 = arith.constant 864 : index
      %swap3A_114 = tpu.vector_load %arg5[%swap3A_113] {strides = array<i32>} : memref<2048xf32, #tpu.memory_space<vmem>>, vector<16xf32>,
      tpu.vector_store %arg5[%swap3A_113], %broadcast_in_dim3A_3 {strides = array<i32>} : memref<2048xf32, #tpu.memory_space<vmem>>, vector<16xf32>,
      %swap3A_115 = arith.constant 880 : index
      %swap3A_116 = tpu.vector_load %arg5[%swap3A_115] {strides = array<i32>} : memref<2048xf32, #tpu.memory_space<vmem>>, vector<16xf32>,
      tpu.vector_store %arg5[%swap3A_115], %broadcast_in_dim3A_3 {strides = array<i32>} : memref<2048xf32, #tpu.memory_space<vmem>>, vector<16xf32>,
      %swap3A_117 = arith.constant 896 : index
      %swap3A_118 = tpu.vector_load %arg5[%swap3A_117] {strides = array<i32>} : memref<2048xf32, #tpu.memory_space<vmem>>, vector<16xf32>,
      tpu.vector_store %arg5[%swap3A_117], %broadcast_in_dim3A_3 {strides = array<i32>} : memref<2048xf32, #tpu.memory_space<vmem>>, vector<16xf32>,
      %swap3A_119 = arith.constant 912 : index
      %swap3A_120 = tpu.vector_load %arg5[%swap3A_119] {strides = array<i32>} : memref<2048xf32, #tpu.memory_space<vmem>>, vector<16xf32>,
      tpu.vector_store %arg5[%swap3A_119], %broadcast_in_dim3A_3 {strides = array<i32>} : memref<2048xf32, #tpu.memory_space<vmem>>, vector<16xf32>,
      %swap3A_121 = arith.constant 928 : index
      %swap3A_122 = tpu.vector_load %arg5[%swap3A_121] {strides = array<i32>} : memref<2048xf32, #tpu.memory_space<vmem>>, vector<16xf32>,
      tpu.vector_store %arg5[%swap3A_121], %broadcast_in_dim3A_3 {strides = array<i32>} : memref<2048xf32, #tpu.memory_space<vmem>>, vector<16xf32>,
      %swap3A_123 = arith.constant 944 : index
      %swap3A_124 = tpu.vector_load %arg5[%swap3A_123] {strides = array<i32>} : memref<2048xf32, #tpu.memory_space<vmem>>, vector<16xf32>,
      tpu.vector_store %arg5[%swap3A_123], %broadcast_in_dim3A_3 {strides = array<i32>} : memref<2048xf32, #tpu.memory_space<vmem>>, vector<16xf32>,
      %swap3A_125 = arith.constant 960 : index
      %swap3A_126 = tpu.vector_load %arg5[%swap3A_125] {strides = array<i32>} : memref<2048xf32, #tpu.memory_space<vmem>>, vector<16xf32>,
      tpu.vector_store %arg5[%swap3A_125], %broadcast_in_dim3A_3 {strides = array<i32>} : memref<2048xf32, #tpu.memory_space<vmem>>, vector<16xf32>,
      %swap3A_127 = arith.constant 976 : index
      %swap3A_128 = tpu.vector_load %arg5[%swap3A_127] {strides = array<i32>} : memref<2048xf32, #tpu.memory_space<vmem>>, vector<16xf32>,
      tpu.vector_store %arg5[%swap3A_127], %broadcast_in_dim3A_3 {strides = array<i32>} : memref<2048xf32, #tpu.memory_space<vmem>>, vector<16xf32>,
      %swap3A_129 = arith.constant 992 : index
      %swap3A_130 = tpu.vector_load %arg5[%swap3A_129] {strides = array<i32>} : memref<2048xf32, #tpu.memory_space<vmem>>, vector<16xf32>,
      tpu.vector_store %arg5[%swap3A_129], %broadcast_in_dim3A_3 {strides = array<i32>} : memref<2048xf32, #tpu.memory_space<vmem>>, vector<16xf32>,
      %swap3A_131 = arith.constant 1008 : index
      %swap3A_132 = tpu.vector_load %arg5[%swap3A_131] {strides = array<i32>} : memref<2048xf32, #tpu.memory_space<vmem>>, vector<16xf32>,
      tpu.vector_store %arg5[%swap3A_131], %broadcast_in_dim3A_3 {strides = array<i32>} : memref<2048xf32, #tpu.memory_space<vmem>>, vector<16xf32>,
      %swap3A_133 = arith.constant 1024 : index
      %swap3A_134 = tpu.vector_load %arg5[%swap3A_133] {strides = array<i32>} : memref<2048xf32, #tpu.memory_space<vmem>>, vector<16xf32>,
      tpu.vector_store %arg5[%swap3A_133], %broadcast_in_dim3A_3 {strides = array<i32>} : memref<2048xf32, #tpu.memory_space<vmem>>, vector<16xf32>,
      %swap3A_135 = arith.constant 1040 : index
      %swap3A_136 = tpu.vector_load %arg5[%swap3A_135] {strides = array<i32>} : memref<2048xf32, #tpu.memory_space<vmem>>, vector<16xf32>,
      tpu.vector_store %arg5[%swap3A_135], %broadcast_in_dim3A_3 {strides = array<i32>} : memref<2048xf32, #tpu.memory_space<vmem>>, vector<16xf32>,
      %swap3A_137 = arith.constant 1056 : index
      %swap3A_138 = tpu.vector_load %arg5[%swap3A_137] {strides = array<i32>} : memref<2048xf32, #tpu.memory_space<vmem>>, vector<16xf32>,
      tpu.vector_store %arg5[%swap3A_137], %broadcast_in_dim3A_3 {strides = array<i32>} : memref<2048xf32, #tpu.memory_space<vmem>>, vector<16xf32>,
      %swap3A_139 = arith.constant 1072 : index
      %swap3A_140 = tpu.vector_load %arg5[%swap3A_139] {strides = array<i32>} : memref<2048xf32, #tpu.memory_space<vmem>>, vector<16xf32>,
      tpu.vector_store %arg5[%swap3A_139], %broadcast_in_dim3A_3 {strides = array<i32>} : memref<2048xf32, #tpu.memory_space<vmem>>, vector<16xf32>,
      %swap3A_141 = arith.constant 1088 : index
      %swap3A_142 = tpu.vector_load %arg5[%swap3A_141] {strides = array<i32>} : memref<2048xf32, #tpu.memory_space<vmem>>, vector<16xf32>,
      tpu.vector_store %arg5[%swap3A_141], %broadcast_in_dim3A_3 {strides = array<i32>} : memref<2048xf32, #tpu.memory_space<vmem>>, vector<16xf32>,
      %swap3A_143 = arith.constant 1104 : index
      %swap3A_144 = tpu.vector_load %arg5[%swap3A_143] {strides = array<i32>} : memref<2048xf32, #tpu.memory_space<vmem>>, vector<16xf32>,
      tpu.vector_store %arg5[%swap3A_143], %broadcast_in_dim3A_3 {strides = array<i32>} : memref<2048xf32, #tpu.memory_space<vmem>>, vector<16xf32>,
      %swap3A_145 = arith.constant 1120 : index
      %swap3A_146 = tpu.vector_load %arg5[%swap3A_145] {strides = array<i32>} : memref<2048xf32, #tpu.memory_space<vmem>>, vector<16xf32>,
      tpu.vector_store %arg5[%swap3A_145], %broadcast_in_dim3A_3 {strides = array<i32>} : memref<2048xf32, #tpu.memory_space<vmem>>, vector<16xf32>,
      %swap3A_147 = arith.constant 1136 : index
      %swap3A_148 = tpu.vector_load %arg5[%swap3A_147] {strides = array<i32>} : memref<2048xf32, #tpu.memory_space<vmem>>, vector<16xf32>,
      tpu.vector_store %arg5[%swap3A_147], %broadcast_in_dim3A_3 {strides = array<i32>} : memref<2048xf32, #tpu.memory_space<vmem>>, vector<16xf32>,
      %swap3A_149 = arith.constant 1152 : index
      %swap3A_150 = tpu.vector_load %arg5[%swap3A_149] {strides = array<i32>} : memref<2048xf32, #tpu.memory_space<vmem>>, vector<16xf32>,
      tpu.vector_store %arg5[%swap3A_149], %broadcast_in_dim3A_3 {strides = array<i32>} : memref<2048xf32, #tpu.memory_space<vmem>>, vector<16xf32>,
      %swap3A_151 = arith.constant 1168 : index
      %swap3A_152 = tpu.vector_load %arg5[%swap3A_151] {strides = array<i32>} : memref<2048xf32, #tpu.memory_space<vmem>>, vector<16xf32>,
      tpu.vector_store %arg5[%swap3A_151], %broadcast_in_dim3A_3 {strides = array<i32>} : memref<2048xf32, #tpu.memory_space<vmem>>, vector<16xf32>,
      %swap3A_153 = arith.constant 1184 : index
      %swap3A_154 = tpu.vector_load %arg5[%swap3A_153] {strides = array<i32>} : memref<2048xf32, #tpu.memory_space<vmem>>, vector<16xf32>,
      tpu.vector_store %arg5[%swap3A_153], %broadcast_in_dim3A_3 {strides = array<i32>} : memref<2048xf32, #tpu.memory_space<vmem>>, vector<16xf32>,
      %swap3A_155 = arith.constant 1200 : index
      %swap3A_156 = tpu.vector_load %arg5[%swap3A_155] {strides = array<i32>} : memref<2048xf32, #tpu.memory_space<vmem>>, vector<16xf32>,
      tpu.vector_store %arg5[%swap3A_155], %broadcast_in_dim3A_3 {strides = array<i32>} : memref<2048xf32, #tpu.memory_space<vmem>>, vector<16xf32>,
      %swap3A_157 = arith.constant 1216 : index
      %swap3A_158 = tpu.vector_load %arg5[%swap3A_157] {strides = array<i32>} : memref<2048xf32, #tpu.memory_space<vmem>>, vector<16xf32>,
      tpu.vector_store %arg5[%swap3A_157], %broadcast_in_dim3A_3 {strides = array<i32>} : memref<2048xf32, #tpu.memory_space<vmem>>, vector<16xf32>,
      %swap3A_159 = arith.constant 1232 : index
      %swap3A_160 = tpu.vector_load %arg5[%swap3A_159] {strides = array<i32>} : memref<2048xf32, #tpu.memory_space<vmem>>, vector<16xf32>,
      tpu.vector_store %arg5[%swap3A_159], %broadcast_in_dim3A_3 {strides = array<i32>} : memref<2048xf32, #tpu.memory_space<vmem>>, vector<16xf32>,
      %swap3A_161 = arith.constant 1248 : index
      %swap3A_162 = tpu.vector_load %arg5[%swap3A_161] {strides = array<i32>} : memref<2048xf32, #tpu.memory_space<vmem>>, vector<16xf32>,
      tpu.vector_store %arg5[%swap3A_161], %broadcast_in_dim3A_3 {strides = array<i32>} : memref<2048xf32, #tpu.memory_space<vmem>>, vector<16xf32>,
      %swap3A_163 = arith.constant 1264 : index
      %swap3A_164 = tpu.vector_load %arg5[%swap3A_163] {strides = array<i32>} : memref<2048xf32, #tpu.memory_space<vmem>>, vector<16xf32>,
      tpu.vector_store %arg5[%swap3A_163], %broadcast_in_dim3A_3 {strides = array<i32>} : memref<2048xf32, #tpu.memory_space<vmem>>, vector<16xf32>,
      %swap3A_165 = arith.constant 1280 : index
      %swap3A_166 = tpu.vector_load %arg5[%swap3A_165] {strides = array<i32>} : memref<2048xf32, #tpu.memory_space<vmem>>, vector<16xf32>,
      tpu.vector_store %arg5[%swap3A_165], %broadcast_in_dim3A_3 {strides = array<i32>} : memref<2048xf32, #tpu.memory_space<vmem>>, vector<16xf32>,
      %swap3A_167 = arith.constant 1296 : index
      %swap3A_168 = tpu.vector_load %arg5[%swap3A_167] {strides = array<i32>} : memref<2048xf32, #tpu.memory_space<vmem>>, vector<16xf32>,
      tpu.vector_store %arg5[%swap3A_167], %broadcast_in_dim3A_3 {strides = array<i32>} : memref<2048xf32, #tpu.memory_space<vmem>>, vector<16xf32>,
      %swap3A_169 = arith.constant 1312 : index
      %swap3A_170 = tpu.vector_load %arg5[%swap3A_169] {strides = array<i32>} : memref<2048xf32, #tpu.memory_space<vmem>>, vector<16xf32>,
      tpu.vector_store %arg5[%swap3A_169], %broadcast_in_dim3A_3 {strides = array<i32>} : memref<2048xf32, #tpu.memory_space<vmem>>, vector<16xf32>,
      %swap3A_171 = arith.constant 1328 : index
      %swap3A_172 = tpu.vector_load %arg5[%swap3A_171] {strides = array<i32>} : memref<2048xf32, #tpu.memory_space<vmem>>, vector<16xf32>,
      tpu.vector_store %arg5[%swap3A_171], %broadcast_in_dim3A_3 {strides = array<i32>} : memref<2048xf32, #tpu.memory_space<vmem>>, vector<16xf32>,
      %swap3A_173 = arith.constant 1344 : index
      %swap3A_174 = tpu.vector_load %arg5[%swap3A_173] {strides = array<i32>} : memref<2048xf32, #tpu.memory_space<vmem>>, vector<16xf32>,
      tpu.vector_store %arg5[%swap3A_173], %broadcast_in_dim3A_3 {strides = array<i32>} : memref<2048xf32, #tpu.memory_space<vmem>>, vector<16xf32>,
      %swap3A_175 = arith.constant 1360 : index
      %swap3A_176 = tpu.vector_load %arg5[%swap3A_175] {strides = array<i32>} : memref<2048xf32, #tpu.memory_space<vmem>>, vector<16xf32>,
      tpu.vector_store %arg5[%swap3A_175], %broadcast_in_dim3A_3 {strides = array<i32>} : memref<2048xf32, #tpu.memory_space<vmem>>, vector<16xf32>,
      %swap3A_177 = arith.constant 1376 : index
      %swap3A_178 = tpu.vector_load %arg5[%swap3A_177] {strides = array<i32>} : memref<2048xf32, #tpu.memory_space<vmem>>, vector<16xf32>,
      tpu.vector_store %arg5[%swap3A_177], %broadcast_in_dim3A_3 {strides = array<i32>} : memref<2048xf32, #tpu.memory_space<vmem>>, vector<16xf32>,
      %swap3A_179 = arith.constant 1392 : index
      %swap3A_180 = tpu.vector_load %arg5[%swap3A_179] {strides = array<i32>} : memref<2048xf32, #tpu.memory_space<vmem>>, vector<16xf32>,
      tpu.vector_store %arg5[%swap3A_179], %broadcast_in_dim3A_3 {strides = array<i32>} : memref<2048xf32, #tpu.memory_space<vmem>>, vector<16xf32>,
      %swap3A_181 = arith.constant 1408 : index
      %swap3A_182 = tpu.vector_load %arg5[%swap3A_181] {strides = array<i32>} : memref<2048xf32, #tpu.memory_space<vmem>>, vector<16xf32>,
      tpu.vector_store %arg5[%swap3A_181], %broadcast_in_dim3A_3 {strides = array<i32>} : memref<2048xf32, #tpu.memory_space<vmem>>, vector<16xf32>,
      %swap3A_183 = arith.constant 1424 : index
      %swap3A_184 = tpu.vector_load %arg5[%swap3A_183] {strides = array<i32>} : memref<2048xf32, #tpu.memory_space<vmem>>, vector<16xf32>,
      tpu.vector_store %arg5[%swap3A_183], %broadcast_in_dim3A_3 {strides = array<i32>} : memref<2048xf32, #tpu.memory_space<vmem>>, vector<16xf32>,
      %swap3A_185 = arith.constant 1440 : index
      %swap3A_186 = tpu.vector_load %arg5[%swap3A_185] {strides = array<i32>} : memref<2048xf32, #tpu.memory_space<vmem>>, vector<16xf32>,
      tpu.vector_store %arg5[%swap3A_185], %broadcast_in_dim3A_3 {strides = array<i32>} : memref<2048xf32, #tpu.memory_space<vmem>>, vector<16xf32>,
      %swap3A_187 = arith.constant 1456 : index
      %swap3A_188 = tpu.vector_load %arg5[%swap3A_187] {strides = array<i32>} : memref<2048xf32, #tpu.memory_space<vmem>>, vector<16xf32>,
      tpu.vector_store %arg5[%swap3A_187], %broadcast_in_dim3A_3 {strides = array<i32>} : memref<2048xf32, #tpu.memory_space<vmem>>, vector<16xf32>,
      %swap3A_189 = arith.constant 1472 : index
      %swap3A_190 = tpu.vector_load %arg5[%swap3A_189] {strides = array<i32>} : memref<2048xf32, #tpu.memory_space<vmem>>, vector<16xf32>,
      tpu.vector_store %arg5[%swap3A_189], %broadcast_in_dim3A_3 {strides = array<i32>} : memref<2048xf32, #tpu.memory_space<vmem>>, vector<16xf32>,
      %swap3A_191 = arith.constant 1488 : index
      %swap3A_192 = tpu.vector_load %arg5[%swap3A_191] {strides = array<i32>} : memref<2048xf32, #tpu.memory_space<vmem>>, vector<16xf32>,
      tpu.vector_store %arg5[%swap3A_191], %broadcast_in_dim3A_3 {strides = array<i32>} : memref<2048xf32, #tpu.memory_space<vmem>>, vector<16xf32>,
      %swap3A_193 = arith.constant 1504 : index
      %swap3A_194 = tpu.vector_load %arg5[%swap3A_193] {strides = array<i32>} : memref<2048xf32, #tpu.memory_space<vmem>>, vector<16xf32>,
      tpu.vector_store %arg5[%swap3A_193], %broadcast_in_dim3A_3 {strides = array<i32>} : memref<2048xf32, #tpu.memory_space<vmem>>, vector<16xf32>,
      %swap3A_195 = arith.constant 1520 : index
      %swap3A_196 = tpu.vector_load %arg5[%swap3A_195] {strides = array<i32>} : memref<2048xf32, #tpu.memory_space<vmem>>, vector<16xf32>,
      tpu.vector_store %arg5[%swap3A_195], %broadcast_in_dim3A_3 {strides = array<i32>} : memref<2048xf32, #tpu.memory_space<vmem>>, vector<16xf32>,
      %swap3A_197 = arith.constant 1536 : index
      %swap3A_198 = tpu.vector_load %arg5[%swap3A_197] {strides = array<i32>} : memref<2048xf32, #tpu.memory_space<vmem>>, vector<16xf32>,
      tpu.vector_store %arg5[%swap3A_197], %broadcast_in_dim3A_3 {strides = array<i32>} : memref<2048xf32, #tpu.memory_space<vmem>>, vector<16xf32>,
      %swap3A_199 = arith.constant 1552 : index
      %swap3A_200 = tpu.vector_load %arg5[%swap3A_199] {strides = array<i32>} : memref<2048xf32, #tpu.memory_space<vmem>>, vector<16xf32>,
      tpu.vector_store %arg5[%swap3A_199], %broadcast_in_dim3A_3 {strides = array<i32>} : memref<2048xf32, #tpu.memory_space<vmem>>, vector<16xf32>,
      %swap3A_201 = arith.constant 1568 : index
      %swap3A_202 = tpu.vector_load %arg5[%swap3A_201] {strides = array<i32>} : memref<2048xf32, #tpu.memory_space<vmem>>, vector<16xf32>,
      tpu.vector_store %arg5[%swap3A_201], %broadcast_in_dim3A_3 {strides = array<i32>} : memref<2048xf32, #tpu.memory_space<vmem>>, vector<16xf32>,
      %swap3A_203 = arith.constant 1584 : index
      %swap3A_204 = tpu.vector_load %arg5[%swap3A_203] {strides = array<i32>} : memref<2048xf32, #tpu.memory_space<vmem>>, vector<16xf32>,
      tpu.vector_store %arg5[%swap3A_203], %broadcast_in_dim3A_3 {strides = array<i32>} : memref<2048xf32, #tpu.memory_space<vmem>>, vector<16xf32>,
      %swap3A_205 = arith.constant 1600 : index
      %swap3A_206 = tpu.vector_load %arg5[%swap3A_205] {strides = array<i32>} : memref<2048xf32, #tpu.memory_space<vmem>>, vector<16xf32>,
      tpu.vector_store %arg5[%swap3A_205], %broadcast_in_dim3A_3 {strides = array<i32>} : memref<2048xf32, #tpu.memory_space<vmem>>, vector<16xf32>,
      %swap3A_207 = arith.constant 1616 : index
      %swap3A_208 = tpu.vector_load %arg5[%swap3A_207] {strides = array<i32>} : memref<2048xf32, #tpu.memory_space<vmem>>, vector<16xf32>,
      tpu.vector_store %arg5[%swap3A_207], %broadcast_in_dim3A_3 {strides = array<i32>} : memref<2048xf32, #tpu.memory_space<vmem>>, vector<16xf32>,
      %swap3A_209 = arith.constant 1632 : index
      %swap3A_210 = tpu.vector_load %arg5[%swap3A_209] {strides = array<i32>} : memref<2048xf32, #tpu.memory_space<vmem>>, vector<16xf32>,
      tpu.vector_store %arg5[%swap3A_209], %broadcast_in_dim3A_3 {strides = array<i32>} : memref<2048xf32, #tpu.memory_space<vmem>>, vector<16xf32>,
      %swap3A_211 = arith.constant 1648 : index
      %swap3A_212 = tpu.vector_load %arg5[%swap3A_211] {strides = array<i32>} : memref<2048xf32, #tpu.memory_space<vmem>>, vector<16xf32>,
      tpu.vector_store %arg5[%swap3A_211], %broadcast_in_dim3A_3 {strides = array<i32>} : memref<2048xf32, #tpu.memory_space<vmem>>, vector<16xf32>,
      %swap3A_213 = arith.constant 1664 : index
      %swap3A_214 = tpu.vector_load %arg5[%swap3A_213] {strides = array<i32>} : memref<2048xf32, #tpu.memory_space<vmem>>, vector<16xf32>,
      tpu.vector_store %arg5[%swap3A_213], %broadcast_in_dim3A_3 {strides = array<i32>} : memref<2048xf32, #tpu.memory_space<vmem>>, vector<16xf32>,
      %swap3A_215 = arith.constant 1680 : index
      %swap3A_216 = tpu.vector_load %arg5[%swap3A_215] {strides = array<i32>} : memref<2048xf32, #tpu.memory_space<vmem>>, vector<16xf32>,
      tpu.vector_store %arg5[%swap3A_215], %broadcast_in_dim3A_3 {strides = array<i32>} : memref<2048xf32, #tpu.memory_space<vmem>>, vector<16xf32>,
      %swap3A_217 = arith.constant 1696 : index
      %swap3A_218 = tpu.vector_load %arg5[%swap3A_217] {strides = array<i32>} : memref<2048xf32, #tpu.memory_space<vmem>>, vector<16xf32>,
      tpu.vector_store %arg5[%swap3A_217], %broadcast_in_dim3A_3 {strides = array<i32>} : memref<2048xf32, #tpu.memory_space<vmem>>, vector<16xf32>,
      %swap3A_219 = arith.constant 1712 : index
      %swap3A_220 = tpu.vector_load %arg5[%swap3A_219] {strides = array<i32>} : memref<2048xf32, #tpu.memory_space<vmem>>, vector<16xf32>,
      tpu.vector_store %arg5[%swap3A_219], %broadcast_in_dim3A_3 {strides = array<i32>} : memref<2048xf32, #tpu.memory_space<vmem>>, vector<16xf32>,
      %swap3A_221 = arith.constant 1728 : index
      %swap3A_222 = tpu.vector_load %arg5[%swap3A_221] {strides = array<i32>} : memref<2048xf32, #tpu.memory_space<vmem>>, vector<16xf32>,
      tpu.vector_store %arg5[%swap3A_221], %broadcast_in_dim3A_3 {strides = array<i32>} : memref<2048xf32, #tpu.memory_space<vmem>>, vector<16xf32>,
      %swap3A_223 = arith.constant 1744 : index
      %swap3A_224 = tpu.vector_load %arg5[%swap3A_223] {strides = array<i32>} : memref<2048xf32, #tpu.memory_space<vmem>>, vector<16xf32>,
      tpu.vector_store %arg5[%swap3A_223], %broadcast_in_dim3A_3 {strides = array<i32>} : memref<2048xf32, #tpu.memory_space<vmem>>, vector<16xf32>,
      %swap3A_225 = arith.constant 1760 : index
      %swap3A_226 = tpu.vector_load %arg5[%swap3A_225] {strides = array<i32>} : memref<2048xf32, #tpu.memory_space<vmem>>, vector<16xf32>,
      tpu.vector_store %arg5[%swap3A_225], %broadcast_in_dim3A_3 {strides = array<i32>} : memref<2048xf32, #tpu.memory_space<vmem>>, vector<16xf32>,
      %swap3A_227 = arith.constant 1776 : index
      %swap3A_228 = tpu.vector_load %arg5[%swap3A_227] {strides = array<i32>} : memref<2048xf32, #tpu.memory_space<vmem>>, vector<16xf32>,
      tpu.vector_store %arg5[%swap3A_227], %broadcast_in_dim3A_3 {strides = array<i32>} : memref<2048xf32, #tpu.memory_space<vmem>>, vector<16xf32>,
      %swap3A_229 = arith.constant 1792 : index
      %swap3A_230 = tpu.vector_load %arg5[%swap3A_229] {strides = array<i32>} : memref<2048xf32, #tpu.memory_space<vmem>>, vector<16xf32>,
      tpu.vector_store %arg5[%swap3A_229], %broadcast_in_dim3A_3 {strides = array<i32>} : memref<2048xf32, #tpu.memory_space<vmem>>, vector<16xf32>,
      %swap3A_231 = arith.constant 1808 : index
      %swap3A_232 = tpu.vector_load %arg5[%swap3A_231] {strides = array<i32>} : memref<2048xf32, #tpu.memory_space<vmem>>, vector<16xf32>,
      tpu.vector_store %arg5[%swap3A_231], %broadcast_in_dim3A_3 {strides = array<i32>} : memref<2048xf32, #tpu.memory_space<vmem>>, vector<16xf32>,
      %swap3A_233 = arith.constant 1824 : index
      %swap3A_234 = tpu.vector_load %arg5[%swap3A_233] {strides = array<i32>} : memref<2048xf32, #tpu.memory_space<vmem>>, vector<16xf32>,
      tpu.vector_store %arg5[%swap3A_233], %broadcast_in_dim3A_3 {strides = array<i32>} : memref<2048xf32, #tpu.memory_space<vmem>>, vector<16xf32>,
      %swap3A_235 = arith.constant 1840 : index
      %swap3A_236 = tpu.vector_load %arg5[%swap3A_235] {strides = array<i32>} : memref<2048xf32, #tpu.memory_space<vmem>>, vector<16xf32>,
      tpu.vector_store %arg5[%swap3A_235], %broadcast_in_dim3A_3 {strides = array<i32>} : memref<2048xf32, #tpu.memory_space<vmem>>, vector<16xf32>,
      %swap3A_237 = arith.constant 1856 : index
      %swap3A_238 = tpu.vector_load %arg5[%swap3A_237] {strides = array<i32>} : memref<2048xf32, #tpu.memory_space<vmem>>, vector<16xf32>,
      tpu.vector_store %arg5[%swap3A_237], %broadcast_in_dim3A_3 {strides = array<i32>} : memref<2048xf32, #tpu.memory_space<vmem>>, vector<16xf32>,
      %swap3A_239 = arith.constant 1872 : index
      %swap3A_240 = tpu.vector_load %arg5[%swap3A_239] {strides = array<i32>} : memref<2048xf32, #tpu.memory_space<vmem>>, vector<16xf32>,
      tpu.vector_store %arg5[%swap3A_239], %broadcast_in_dim3A_3 {strides = array<i32>} : memref<2048xf32, #tpu.memory_space<vmem>>, vector<16xf32>,
      %swap3A_241 = arith.constant 1888 : index
      %swap3A_242 = tpu.vector_load %arg5[%swap3A_241] {strides = array<i32>} : memref<2048xf32, #tpu.memory_space<vmem>>, vector<16xf32>,
      tpu.vector_store %arg5[%swap3A_241], %broadcast_in_dim3A_3 {strides = array<i32>} : memref<2048xf32, #tpu.memory_space<vmem>>, vector<16xf32>,
      %swap3A_243 = arith.constant 1904 : index
      %swap3A_244 = tpu.vector_load %arg5[%swap3A_243] {strides = array<i32>} : memref<2048xf32, #tpu.memory_space<vmem>>, vector<16xf32>,
      tpu.vector_store %arg5[%swap3A_243], %broadcast_in_dim3A_3 {strides = array<i32>} : memref<2048xf32, #tpu.memory_space<vmem>>, vector<16xf32>,
      %swap3A_245 = arith.constant 1920 : index
      %swap3A_246 = tpu.vector_load %arg5[%swap3A_245] {strides = array<i32>} : memref<2048xf32, #tpu.memory_space<vmem>>, vector<16xf32>,
      tpu.vector_store %arg5[%swap3A_245], %broadcast_in_dim3A_3 {strides = array<i32>} : memref<2048xf32, #tpu.memory_space<vmem>>, vector<16xf32>,
      %swap3A_247 = arith.constant 1936 : index
      %swap3A_248 = tpu.vector_load %arg5[%swap3A_247] {strides = array<i32>} : memref<2048xf32, #tpu.memory_space<vmem>>, vector<16xf32>,
      tpu.vector_store %arg5[%swap3A_247], %broadcast_in_dim3A_3 {strides = array<i32>} : memref<2048xf32, #tpu.memory_space<vmem>>, vector<16xf32>,
      %swap3A_249 = arith.constant 1952 : index
      %swap3A_250 = tpu.vector_load %arg5[%swap3A_249] {strides = array<i32>} : memref<2048xf32, #tpu.memory_space<vmem>>, vector<16xf32>,
      tpu.vector_store %arg5[%swap3A_249], %broadcast_in_dim3A_3 {strides = array<i32>} : memref<2048xf32, #tpu.memory_space<vmem>>, vector<16xf32>,
      %swap3A_251 = arith.constant 1968 : index
      %swap3A_252 = tpu.vector_load %arg5[%swap3A_251] {strides = array<i32>} : memref<2048xf32, #tpu.memory_space<vmem>>, vector<16xf32>,
      tpu.vector_store %arg5[%swap3A_251], %broadcast_in_dim3A_3 {strides = array<i32>} : memref<2048xf32, #tpu.memory_space<vmem>>, vector<16xf32>,
      %swap3A_253 = arith.constant 1984 : index
      %swap3A_254 = tpu.vector_load %arg5[%swap3A_253] {strides = array<i32>} : memref<2048xf32, #tpu.memory_space<vmem>>, vector<16xf32>,
      tpu.vector_store %arg5[%swap3A_253], %broadcast_in_dim3A_3 {strides = array<i32>} : memref<2048xf32, #tpu.memory_space<vmem>>, vector<16xf32>,
      %swap3A_255 = arith.constant 2000 : index
      %swap3A_256 = tpu.vector_load %arg5[%swap3A_255] {strides = array<i32>} : memref<2048xf32, #tpu.memory_space<vmem>>, vector<16xf32>,
      tpu.vector_store %arg5[%swap3A_255], %broadcast_in_dim3A_3 {strides = array<i32>} : memref<2048xf32, #tpu.memory_space<vmem>>, vector<16xf32>,
      %swap3A_257 = arith.constant 2016 : index
      %swap3A_258 = tpu.vector_load %arg5[%swap3A_257] {strides = array<i32>} : memref<2048xf32, #tpu.memory_space<vmem>>, vector<16xf32>,
      tpu.vector_store %arg5[%swap3A_257], %broadcast_in_dim3A_3 {strides = array<i32>} : memref<2048xf32, #tpu.memory_space<vmem>>, vector<16xf32>,
      %swap3A_259 = arith.constant 2032 : index
      %swap3A_260 = tpu.vector_load %arg5[%swap3A_259] {strides = array<i32>} : memref<2048xf32, #tpu.memory_space<vmem>>, vector<16xf32>,
      tpu.vector_store %arg5[%swap3A_259], %broadcast_in_dim3A_3 {strides = array<i32>} : memref<2048xf32, #tpu.memory_space<vmem>>, vector<16xf32>,
      %get3A = arith.constant 0 : index
      %get3A_261 = tpu.vector_load %arg4[%get3A] {strides = array<i32>} : memref<256xi32, #tpu.memory_space<vmem>>, vector<16xi32>,
      tpu.vector_store_idx %arg5[%get3A_261], %broadcast_in_dim3A_5 : memref<2048xf32, #tpu.memory_space<vmem>>[vector<16xi32>], vector<16xf32>,
      %get3A_262 = arith.constant 16 : index
      %get3A_263 = tpu.vector_load %arg4[%get3A_262] {strides = array<i32>} : memref<256xi32, #tpu.memory_space<vmem>>, vector<16xi32>,
      tpu.vector_store_idx %arg5[%get3A_263], %broadcast_in_dim3A_5 : memref<2048xf32, #tpu.memory_space<vmem>>[vector<16xi32>], vector<16xf32>,
      %get3A_264 = arith.constant 32 : index
      %get3A_265 = tpu.vector_load %arg4[%get3A_264] {strides = array<i32>} : memref<256xi32, #tpu.memory_space<vmem>>, vector<16xi32>,
      tpu.vector_store_idx %arg5[%get3A_265], %broadcast_in_dim3A_5 : memref<2048xf32, #tpu.memory_space<vmem>>[vector<16xi32>], vector<16xf32>,
      %get3A_266 = arith.constant 48 : index
      %get3A_267 = tpu.vector_load %arg4[%get3A_266] {strides = array<i32>} : memref<256xi32, #tpu.memory_space<vmem>>, vector<16xi32>,
      tpu.vector_store_idx %arg5[%get3A_267], %broadcast_in_dim3A_5 : memref<2048xf32, #tpu.memory_space<vmem>>[vector<16xi32>], vector<16xf32>,
      %get3A_268 = arith.constant 64 : index
      %get3A_269 = tpu.vector_load %arg4[%get3A_268] {strides = array<i32>} : memref<256xi32, #tpu.memory_space<vmem>>, vector<16xi32>,
      tpu.vector_store_idx %arg5[%get3A_269], %broadcast_in_dim3A_5 : memref<2048xf32, #tpu.memory_space<vmem>>[vector<16xi32>], vector<16xf32>,
      %get3A_270 = arith.constant 80 : index
      %get3A_271 = tpu.vector_load %arg4[%get3A_270] {strides = array<i32>} : memref<256xi32, #tpu.memory_space<vmem>>, vector<16xi32>,
      tpu.vector_store_idx %arg5[%get3A_271], %broadcast_in_dim3A_5 : memref<2048xf32, #tpu.memory_space<vmem>>[vector<16xi32>], vector<16xf32>,
      %get3A_272 = arith.constant 96 : index
      %get3A_273 = tpu.vector_load %arg4[%get3A_272] {strides = array<i32>} : memref<256xi32, #tpu.memory_space<vmem>>, vector<16xi32>,
      tpu.vector_store_idx %arg5[%get3A_273], %broadcast_in_dim3A_5 : memref<2048xf32, #tpu.memory_space<vmem>>[vector<16xi32>], vector<16xf32>,
      %get3A_274 = arith.constant 112 : index
      %get3A_275 = tpu.vector_load %arg4[%get3A_274] {strides = array<i32>} : memref<256xi32, #tpu.memory_space<vmem>>, vector<16xi32>,
      tpu.vector_store_idx %arg5[%get3A_275], %broadcast_in_dim3A_5 : memref<2048xf32, #tpu.memory_space<vmem>>[vector<16xi32>], vector<16xf32>,
      %get3A_276 = arith.constant 128 : index
      %get3A_277 = tpu.vector_load %arg4[%get3A_276] {strides = array<i32>} : memref<256xi32, #tpu.memory_space<vmem>>, vector<16xi32>,
      tpu.vector_store_idx %arg5[%get3A_277], %broadcast_in_dim3A_5 : memref<2048xf32, #tpu.memory_space<vmem>>[vector<16xi32>], vector<16xf32>,
      %get3A_278 = arith.constant 144 : index
      %get3A_279 = tpu.vector_load %arg4[%get3A_278] {strides = array<i32>} : memref<256xi32, #tpu.memory_space<vmem>>, vector<16xi32>,
      tpu.vector_store_idx %arg5[%get3A_279], %broadcast_in_dim3A_5 : memref<2048xf32, #tpu.memory_space<vmem>>[vector<16xi32>], vector<16xf32>,
      %get3A_280 = arith.constant 160 : index
      %get3A_281 = tpu.vector_load %arg4[%get3A_280] {strides = array<i32>} : memref<256xi32, #tpu.memory_space<vmem>>, vector<16xi32>,
      tpu.vector_store_idx %arg5[%get3A_281], %broadcast_in_dim3A_5 : memref<2048xf32, #tpu.memory_space<vmem>>[vector<16xi32>], vector<16xf32>,
      %get3A_282 = arith.constant 176 : index
      %get3A_283 = tpu.vector_load %arg4[%get3A_282] {strides = array<i32>} : memref<256xi32, #tpu.memory_space<vmem>>, vector<16xi32>,
      tpu.vector_store_idx %arg5[%get3A_283], %broadcast_in_dim3A_5 : memref<2048xf32, #tpu.memory_space<vmem>>[vector<16xi32>], vector<16xf32>,
      %get3A_284 = arith.constant 192 : index
      %get3A_285 = tpu.vector_load %arg4[%get3A_284] {strides = array<i32>} : memref<256xi32, #tpu.memory_space<vmem>>, vector<16xi32>,
      tpu.vector_store_idx %arg5[%get3A_285], %broadcast_in_dim3A_5 : memref<2048xf32, #tpu.memory_space<vmem>>[vector<16xi32>], vector<16xf32>,
      %get3A_286 = arith.constant 208 : index
      %get3A_287 = tpu.vector_load %arg4[%get3A_286] {strides = array<i32>} : memref<256xi32, #tpu.memory_space<vmem>>, vector<16xi32>,
      tpu.vector_store_idx %arg5[%get3A_287], %broadcast_in_dim3A_5 : memref<2048xf32, #tpu.memory_space<vmem>>[vector<16xi32>], vector<16xf32>,
      %get3A_288 = arith.constant 224 : index
      %get3A_289 = tpu.vector_load %arg4[%get3A_288] {strides = array<i32>} : memref<256xi32, #tpu.memory_space<vmem>>, vector<16xi32>,
      tpu.vector_store_idx %arg5[%get3A_289], %broadcast_in_dim3A_5 : memref<2048xf32, #tpu.memory_space<vmem>>[vector<16xi32>], vector<16xf32>,
      %get3A_290 = arith.constant 240 : index
      %get3A_291 = tpu.vector_load %arg4[%get3A_290] {strides = array<i32>} : memref<256xi32, #tpu.memory_space<vmem>>, vector<16xi32>,
      tpu.vector_store_idx %arg5[%get3A_291], %broadcast_in_dim3A_5 : memref<2048xf32, #tpu.memory_space<vmem>>[vector<16xi32>], vector<16xf32>,
      "tpu.region"() ({
        %run_scoped3A = tpu.sem_alloc : memref<!tpu.dma_semaphore, #tpu.memory_space<semaphore_mem>>
        tpu.enqueue_dma source(%arg5 : memref<2048xf32, #tpu.memory_space<vmem>>) target(%arg3 : memref<2048xf32, #tpu.memory_space<hbm>>) target_semaphore(%run_scoped3A : memref<!tpu.dma_semaphore, #tpu.memory_space<semaphore_mem>>)
        tpu.wait_dma2 semaphore(%run_scoped3A : memref<!tpu.dma_semaphore, #tpu.memory_space<semaphore_mem>>) src(%arg5 : memref<2048xf32, #tpu.memory_space<vmem>>) dst(%arg3 : memref<2048xf32, #tpu.memory_space<hbm>>)
        tpu.yield
      }) : () -> ()
    } else {
    }
    return
  }
}

module attributes {stable_mosaic.version = 14 : i64} {
  func.func @_tc_body(%arg0: i32, %arg1: memref<1024x2048xf32, #tpu.memory_space<vmem>>, %arg2: memref<1x2048xf32, #tpu.memory_space<vmem>>, %arg3: memref<1024x2048xf32, #tpu.memory_space<vmem>>) attributes {dimension_semantics = [#tpu.dimension_semantics<arbitrary>], iteration_bounds = array<i64: 16>, scalar_prefetch = 0 : i64, scratch_operands = 0 : i64, tpu.core_type = #tpu.core_type<tc>, window_params = [{transform_indices = @transform_0, window_bounds = array<i64: 1024, 2048>}, {pipeline_mode = #tpu.pipeline_mode<synchronous>, transform_indices = @transform_1, window_bounds = array<i64: 1, 2048>}, {transform_indices = @transform_2, window_bounds = array<i64: 1024, 2048>}]} {
    %get3A = arith.constant 0 : index
    %get3A_0 = arith.constant 0 : index
    %get3A_1 = vector.load %arg1[%get3A, %get3A_0] : memref<1024x2048xf32, #tpu.memory_space<vmem>>, vector<1024x2048xf32>
    %get3A_2 = arith.constant 0 : index
    %get3A_3 = arith.constant 0 : index
    %get3A_4 = vector.load %arg2[%get3A_2, %get3A_3] : memref<1x2048xf32, #tpu.memory_space<vmem>>, vector<1x2048xf32>
    %mul3A = vector.broadcast %get3A_4 : vector<1x2048xf32> to vector<1024x2048xf32>
    %mul3A_5 = arith.mulf %get3A_1, %mul3A : vector<1024x2048xf32>
    %swap3A = arith.constant 0 : index
    %swap3A_6 = arith.constant 0 : index
    %swap3A_7 = vector.load %arg3[%swap3A, %swap3A_6] : memref<1024x2048xf32, #tpu.memory_space<vmem>>, vector<1024x2048xf32>
    tpu.vector_store %arg3[%swap3A, %swap3A_6], %mul3A_5 {strides = array<i32>} : memref<1024x2048xf32, #tpu.memory_space<vmem>>, vector<1024x2048xf32>,
    return
  }
  func.func @transform_0(%arg0: i32) -> (i32, i32) {
    %c0_i32 = arith.constant 0 : i32
    %c0_i32_0 = arith.constant 0 : i32
    return %arg0, %c0_i32 : i32, i32
  }
  func.func @transform_1(%arg0: i32) -> (i32, i32) {
    %c0_i32 = arith.constant 0 : i32
    %c0_i32_0 = arith.constant 0 : i32
    %c0_i32_1 = arith.constant 0 : i32
    return %c0_i32, %c0_i32_0 : i32, i32
  }
  func.func @transform_2(%arg0: i32) -> (i32, i32) {
    %c0_i32 = arith.constant 0 : i32
    %c0_i32_0 = arith.constant 0 : i32
    return %arg0, %c0_i32 : i32, i32
  }
}

</mosaic_0001>

<sc_bundles>
// kernel: kernel.4.cloned.1.call-start
scs
__scs_entry_jumppad:
0x0: {  	(pc) =	sbr.rel $0x88, $3  }
0x1: {  	(tag) =	ssettag $0x0;
	lr =	simm.s32 $0x1  }
0x2: {  	[smem:$0x3F9F] =	sst lr;
	_ =	strace $0xD0000000  }
0x3: {  	_ = 	snop  }
0x4: {  	_ = 	snop  }
0x5: {  	_ = 	snop  }
0x6: {  	_ = 	snop  }
0x7: {  	_ = 	snop  }
__scs_overlays_trampoline_lowered:
0x8: {  	[smem:$0x3FAE] =	sst s0  }
0x9: {  	[smem:$0x3FAF] =	sst s1  }
0xa: {  	[smem:$0x3FB0] =	sst s2  }
0xb: {  	[smem:$0x3FB1] =	sst s3  }
0xc: {  	[smem:$0x3FB2] =	sst s4  }
0xd: {  	[smem:$0x3FB3] =	sst s5  }
0xe: {  	[smem:$0x3FB4] =	sst s6  }
0xf: {  	[smem:$0x3FB5] =	sst s7  }
0x10: {  	[smem:$0x3FB6] =	sst s8  }
0x11: {  	[smem:$0x3FB7] =	sst s9;
	s0 =	simm.s32 @!p0 $0x0  }
0x12: {  	s1 =	sld [smem:$0x3F9D];
	s0 =	simm.s32 @p0 $0x1  }
0x13: {  	[smem:$0x3FB8] =	sst s0;
	s0 =	simm.s32 @!p1 $0x0  }
0x14: {  	s2 =	sld [smem:$0x3F9C];
	s0 =	simm.s32 @p1 $0x1  }
0x15: {  	[smem:$0x3FB9] =	sst s0;
	s0 =	simm.s32 @!p2 $0x0  }
0x16: {  	s3 =	sld [smem:$0x3FDB];
	s0 =	simm.s32 @p2 $0x1  }
0x17: {  	s4 =	simm.s32 $0x1BF5;
	[smem:$0x3FBB] =	sst s0  }
0x18: {  	s0 =	sld [smem:$0x3F9E];
	_ =	swait.ge [sflag:s4], $0x0  }
0x19: {  	s7 =	sld [smem:$0x3F9F]  }
0x1a: {  	s8 =	sadd.s32 $0xFFFFE003, lr  }
0x1b: {  	s9 =	sadd.s32 $0xFFFFFEF7, lr;
	s5 =	simm.s32 $0xFFFFFFFF;
	p2 =	slt.u32 s8, $0xFFFFF086  }
0x1c: {  	p1 =	slt.u32 s9, $0xF7A;
	s5 =	simm.s32 @!p2 $0x0  }
0x1d: {  	s5 =	simm.s32 @p1 $0x1;
	p0 =	seq.s32 s7, s2  }
0x1e: {  	s7 =	smul.u32 @!p0 $0xF7A, s2;
	p2 =	seq.s32 @!p0 s5, $0x0  }
0x1f: {  	s9 =	smul.u32 $0xF7A, s1;
	s8 =	simm.s32 @!p0 $0x1BF5;
	p2 =	por !p2, p0  }
0x20: {  	[sflag:s8] =	ssyncset.s32 @!p0 $0xFFFFF086;
	s6 =	sadd.s32 @!p0 s3, s7;
	s7 =	simm.s32 @!p0 $0x108  }
0x21: {  	s3 =	sadd.s32 s3, s9;
	s6 =	sadd.s32 @!p0 $0x88, s6;
	s7 =	simm.s32 @p2 $0x1082  }
0x22: {  	[simem:s7], [sflag:s8] =	dma.local @!p0 [hbm:s6], $0xF7A  }
0x23: {  	s9 =	sor.u32 $0xD0000000, s2;
	s6 =	simm.s32 $0x108;
	_ =	swait.ge @!p0 [sflag:s8], $0x0  }
0x24: {  	s3 =	sadd.s32 $0x88, s3;
	s6 =	simm.s32 @!p1 $0x1082;
	[sflag:s4] =	ssyncset.s32 $0xFFFFF086  }
0x25: {  	[simem:s6], [sflag:s4] =	dma.local [hbm:s3], $0xF7A  }
0x26: {  	[smem:$0x3F9F] =	sst s1;
	(tag) =	ssettag s2;
	_ =	strace s9  }
0x27: {  	s1 =	sld [smem:$0x3FAF]  }
0x28: {  	s2 =	sld [smem:$0x3FB0]  }
0x29: {  	s4 =	sld [smem:$0x3FB2]  }
0x2a: {  	p0 =	seq.s32 s5, $0x0;
	s5 =	sld [smem:$0x3FB3]  }
0x2b: {  	s6 =	sld [smem:$0x3FB4]  }
0x2c: {  	s7 =	sld [smem:$0x3FB5]  }
0x2d: {  	s3 =	simm.s32 $0x108;
	s8 =	sld [smem:$0x3FB6]  }
0x2e: {  	s3 =	simm.s32 @!p0 $0x1082;
	s9 =	sld [smem:$0x3FB7]  }
0x2f: {  	lr =	sadd.s32 s0, s3;
	s0 =	sld [smem:$0x3FAE]  }
0x30: {  	s3 =	sld [smem:$0x3FB1]  }
0x31: {  	[smem:$0x3FBA] =	sst s10  }
0x32: {  	s10 =	sld [smem:$0x3FB8];
	_ =	sdelay $0x3  }
0x33: {  	p0 =	seq.s32 s10, $0x1;
	s10 =	sld [smem:$0x3FBA];
	_ =	sdelay $0x3  }
0x34: {  	[smem:$0x3FBA] =	sst s10  }
0x35: {  	s10 =	sld [smem:$0x3FB9];
	_ =	sdelay $0x3  }
0x36: {  	p1 =	seq.s32 s10, $0x1;
	s10 =	sld [smem:$0x3FBA];
	_ =	sdelay $0x3  }
0x37: {  	[smem:$0x3FBA] =	sst s10  }
0x38: {  	s10 =	sld [smem:$0x3FBB]  }
0x39: {  	_ = 	snop;
	(pc) =	sbr.ind lr, $3  }
0x3a: {  	_ = 	snop  }
0x3b: {  	_ = 	snop  }
0x3c: {  	p2 =	seq.s32 s10, $0x1;
	s10 =	sld [smem:$0x3FBA]  }
0x3d: {  	_ =	shalt  }
0x3e: {  	_ =	shalt  }
0x3f: {  	_ =	shalt  }
0x40: {  	_ =	shalt  }
0x41: {  	_ =	shalt  }
0x42: {  	_ =	shalt  }
0x43: {  	_ =	shalt  }
0x44: {  	_ =	shalt  }
0x45: {  	_ =	shalt  }
0x46: {  	_ =	shalt  }
0x47: {  	_ =	shalt  }
0x48: {  	_ =	shalt  }
0x49: {  	_ =	shalt  }
0x4a: {  	_ =	shalt  }
0x4b: {  	_ =	shalt  }
0x4c: {  	_ =	shalt  }
0x4d: {  	_ =	shalt  }
0x4e: {  	_ =	shalt  }
0x4f: {  	_ =	shalt  }
0x50: {  	_ =	shalt  }
0x51: {  	_ =	shalt  }
0x52: {  	_ =	shalt  }
0x53: {  	_ =	shalt  }
0x54: {  	_ =	shalt  }
0x55: {  	_ =	shalt  }
0x56: {  	_ =	shalt  }
0x57: {  	_ =	shalt  }
0x58: {  	_ =	shalt  }
0x59: {  	_ =	shalt  }
0x5a: {  	_ =	shalt  }
0x5b: {  	_ =	shalt  }
0x5c: {  	_ =	shalt  }
0x5d: {  	_ =	shalt  }
0x5e: {  	_ =	shalt  }
0x5f: {  	_ =	shalt  }
0x60: {  	_ =	shalt  }
0x61: {  	_ =	shalt  }
0x62: {  	_ =	shalt  }
0x63: {  	_ =	shalt  }
0x64: {  	_ =	shalt  }
0x65: {  	_ =	shalt  }
0x66: {  	_ =	shalt  }
0x67: {  	_ =	shalt  }
0x68: {  	_ =	shalt  }
0x69: {  	_ =	shalt  }
0x6a: {  	_ =	shalt  }
0x6b: {  	_ =	shalt  }
0x6c: {  	_ =	shalt  }
0x6d: {  	_ =	shalt  }
0x6e: {  	_ =	shalt  }
0x6f: {  	_ =	shalt  }
0x70: {  	_ =	shalt  }
0x71: {  	_ =	shalt  }
0x72: {  	_ =	shalt  }
0x73: {  	_ =	shalt  }
0x74: {  	_ =	shalt  }
0x75: {  	_ =	shalt  }
0x76: {  	_ =	shalt  }
0x77: {  	_ =	shalt  }
0x78: {  	_ =	shalt  }
0x79: {  	_ =	shalt  }
0x7a: {  	_ =	shalt  }
0x7b: {  	_ =	shalt  }
0x7c: {  	_ =	shalt  }
0x7d: {  	_ =	shalt  }
0x7e: {  	_ =	shalt  }
0x7f: {  	_ =	shalt  }
0x80: {  	_ =	shalt  }
0x81: {  	_ =	shalt  }
0x82: {  	_ =	shalt  }
0x83: {  	_ =	shalt  }
0x84: {  	_ =	shalt  }
0x85: {  	_ =	shalt  }
0x86: {  	_ =	shalt  }
0x87: {  	_ =	shalt  }
.Lfunc_end0:
.L_simem_size_0:
called_computation_lowered:
.L_overlay_start_0:
0x88: {  	s2 =	sld [smem:$0x3FD9]  }
0x89: {  	s3 =	sld [smem:$0x3FFE];
	_ =	sdelay $0x1  }
0x8a: {  	s1 =	srdreg.scid  }
0x8b: {  	s0 =	sand.u32 $0x1, s1  }
0x8c: {  	s18 =	sshll.u32 s0, $0xA;
	s2 =	sadd.s32 s3, s2  }
0x8d: {  	s2 =	sadd.s32 s2, s18  }
0x8e: {  	[smem:$0x3FC6] =	sst s2  }
0x8f: {  	_ = 	snop  }
0x90: {  	s2 =	sld [smem:$0x3FC8]  }
0x91: {  	s19 =	sld [smem:$0x3FD0];
	(tm) =	ssettm $0x1  }
0x92: {  	s4 =	sld [smem:$0x3FFB];
	_ =	sdelay $0x3  }
0x93: {  	_ =	strace s4  }
0x94: {  	s4 =	sld [smem:$0x3FFC];
	_ =	sdelay $0x3  }
0x95: {  	_ =	strace s4  }
0x96: {  	s4 =	sld [smem:$0x3FFD];
	_ =	sdelay $0x3  }
0x97: {  	_ =	strace s4  }
0x98: {  	_ =	strace $0x8FFFFFFF  }
0x99: {  	s20 =	sld [smem:$0x3FDB];
	_ =	sdelay $0x1  }
0x9a: {  	s5 =	simm.s32 $_scs_section_size  }
0x9b: {  	s6 =	simm.s32 $_size__tile_overlayer_lowered;
	s7 =	simm.s32 $_tile_overlayer_lowered  }
0x9c: {  	s23 =	simm.s32 $0x1BFF;
	s22 =	sshll.u32 s7, $0x1;
	s4 =	sadd.s32 s5, s20  }
0x9d: {  	s8 =	simm.s32 $0x0;
	s21 =	sshll.u32 s6, $0x1;
	s6 =	sadd.s32 s22, s4  }
0x9e: {  	[timem:s8], [sflag:s23] =	dma.local [hbm:s6], s21  }
0x9f: {  	_ =	swait.ge [sflag:s23], s21  }
0xa0: {  	s5 =	ssub.s32 $0x0, s21;
	[sflag:s23] =	ssyncset.done $0x0  }
0xa1: {  	[sflag:s23] =	ssyncadd.s32 s5;
	_ =	sdelay $0x1  }
0xa2: {  	s24 =	simm.s32 $0x1B8B  }
0xa3: {  	_ =	swait.ge [sflag:s24], $0x1  }
0xa4: {  	[sflag:s24] =	ssyncset.done $0x0  }
0xa5: {  	s25 =	simm.s32 $0x1B8E;
	[sflag:s24] =	ssyncadd.s32 $0xFFFFFFFF  }
0xa6: {  	s26 =	simm.s32 $execute0_lowered;
	[smem:$0x3FD2] =	sst s25  }
0xa7: {  	s5 =	sshll.u32 s26, $0x1;
	_ =	strace $0x80000046;
	[dreg:$0x1] =	wrdreg $0xFFFFFFFF  }
0xa8: {  	s28 =	simm.s32 $_size_execute0_lowered;
	s4 =	sadd.s32 s4, s5;
	[dreg:$0x0] =	wrdreg $0x0  }
0xa9: {  	s5 =	sshll.u32 s28, $0x1;
	[dreg:$0x2] =	wrdreg s4  }
0xaa: {  	[dreg:$0x3] =	wrdreg s5  }
0xab: {  	[dreg:$0x4] =	wrdreg $0xC0  }
0xac: {  	_ =	task [dreg:s8], $0x5FFFF  }
0xad: {  	[dreg:$0x1] =	wrdreg $0xFFFFFFFF  }
0xae: {  	[dreg:$0x0] =	wrdreg $0x60  }
0xaf: {  	[dreg:$0x2] =	wrdreg s2  }
0xb0: {  	[dreg:$0x3] =	wrdreg s19  }
0xb1: {  	[dreg:$0x4] =	wrdreg $0x9  }
0xb2: {  	_ =	task.clear_ibuf [dreg:s8], $0x5FFFF;
	_ =	strace $0x90000046  }
0xb3: {  	s29 =	simm.s32 $0x9;
	_ =	strace $0x80000048  }
0xb4: {  	_ =	swait.ge [sflag:s29], $0x1  }
0xb5: {  	[sflag:s29] =	ssyncadd.s32 $0xFFFFFFFF  }
0xb6: {  	_ =	strace $0x90000048  }
0xb7: {  	_ =	sfence  }
0xb8: {  	s30 =	sld [smem:$0x0];
	_ =	sdelay $0x2  }
0xb9: {  	s31 =	sshll.u32 s1, $0xD;
	s1 =	sshrl.u32 s1, $0x2  }
0xba: {  	s3 =	sand.u32 $0x4000, s31;
	s1 =	sadd.s32 s1, s30  }
0xbb: {  	s0 =	sor.u32 s3, s0;
	s1 =	sshll.u32 s1, $0x11  }
0xbc: {  	s0 =	sor.u32 s1, s0  }
0xbd: {  	s0 =	sadd.s32 $0x8F2B, s0  }
0xbe: {  	[sflag:s0] =	ssyncadd.remote.s32 $0x1  }
0xbf: {  	_ =	sfence.sel $0xFFFF  }
0xc0: {  	[dreg:$0x0] =	wrdreg $0xFFFFFFFF;
	(pc) =	sbr.abs _section_cstart, $3  }
0xc1: {  	[dreg:$0x1] =	wrdreg $0xFFFFFFFF  }
0xc2: {  	_ =	task.clear_ibuf [dreg:s8], $0x2FFFF;
	_ =	strace $0x9FFFFFFF  }
0xc3: {  	(tm) =	ssettm $0x7FFFFFFF  }
tec
execute0_lowered:
.L_overlay_start_1:
0x0: {  	(tag) =	ssettag $0x1  }
0x1: {  	s0 =	srdreg.scid  }
0x2: {  	s4 =	sand.u32 $0x1, s0;
	s0 =	stileid.u32  }
0x3: {  	s5 =	sshll.u32 s4, $0x4;
	s6 =	ssub.s32 $0x0, s0  }
0x4: {  	p0 =	sne.s32 s5, s6  }
.Ltmp0:
0x5: {  	_ = 	snop;
	(pc) =	sbr.rel @p0 .LBB2_3-.Ltmp0, $4  }
0x6: {  	_ = 	snop  }
0x7: {  	s2 =	rddreg [dreg:$0x0]  }
0x8: {  	s3 =	rddreg [dreg:$0x1]  }
0x9: {  	s1 =	rddreg [dreg:$0x2];
	_ =	strace $0x80000047  }
0xa: {  	s4 =	ssub.s32 $0x2, s4  }
0xb: {  	s5 =	sshrl.u32 s4, $0x1  }
0xc: {  	s6 =	simm.s32 $0x1;
	s4 =	ssub.s32 s4, s5  }
0xd: {  	v0 =	vimm.f32 $1.000000000e+00;
	v1 =	vimm.f32 $0.0e+00;
	s7 =	simm.s32 $0x100;
	s5 =	simm.s32 $0x0;
	s4 =	smax.u32 s4, $0x1  }
.LBB2_2:
0xe: {  	[tilespmem:s5], [sflag:$0x1] =	stream.linear.gather [hbm4b:s2+s5], $0x100, $0x38;
	[tilespmem:$0x900] =	vst v63  }
0xf: {  	_ =	swait.ge [sflag:s6], $0x100  }
0x10: {  	[sflag:s6] =	ssyncset.done $0x0  }
0x11: {  	[sflag:s6] =	ssyncadd.s32 $0xFFFFFF00  }
0x12: {  	[tilespmem:$0x100] =	vst v0  }
0x13: {  	[tilespmem:$0x110] =	vst v0  }
0x14: {  	[tilespmem:$0x120] =	vst v0  }
0x15: {  	[tilespmem:$0x130] =	vst v0  }
0x16: {  	[tilespmem:$0x140] =	vst v0  }
0x17: {  	[tilespmem:$0x150] =	vst v0  }
0x18: {  	[tilespmem:$0x160] =	vst v0  }
0x19: {  	[tilespmem:$0x170] =	vst v0  }
0x1a: {  	[tilespmem:$0x180] =	vst v0  }
0x1b: {  	[tilespmem:$0x190] =	vst v0  }
0x1c: {  	[tilespmem:$0x1A0] =	vst v0  }
0x1d: {  	[tilespmem:$0x1B0] =	vst v0  }
0x1e: {  	[tilespmem:$0x1C0] =	vst v0  }
0x1f: {  	[tilespmem:$0x1D0] =	vst v0  }
0x20: {  	[tilespmem:$0x1E0] =	vst v0  }
0x21: {  	[tilespmem:$0x1F0] =	vst v0  }
0x22: {  	[tilespmem:$0x200] =	vst v0  }
0x23: {  	[tilespmem:$0x210] =	vst v0  }
0x24: {  	[tilespmem:$0x220] =	vst v0  }
0x25: {  	[tilespmem:$0x230] =	vst v0  }
0x26: {  	[tilespmem:$0x240] =	vst v0  }
0x27: {  	[tilespmem:$0x250] =	vst v0  }
0x28: {  	[tilespmem:$0x260] =	vst v0  }
0x29: {  	[tilespmem:$0x270] =	vst v0  }
0x2a: {  	[tilespmem:$0x280] =	vst v0  }
0x2b: {  	[tilespmem:$0x290] =	vst v0  }
0x2c: {  	[tilespmem:$0x2A0] =	vst v0  }
0x2d: {  	[tilespmem:$0x2B0] =	vst v0  }
0x2e: {  	[tilespmem:$0x2C0] =	vst v0  }
0x2f: {  	[tilespmem:$0x2D0] =	vst v0  }
0x30: {  	[tilespmem:$0x2E0] =	vst v0  }
0x31: {  	[tilespmem:$0x2F0] =	vst v0  }
0x32: {  	[tilespmem:$0x300] =	vst v0  }
0x33: {  	[tilespmem:$0x310] =	vst v0  }
0x34: {  	[tilespmem:$0x320] =	vst v0  }
0x35: {  	[tilespmem:$0x330] =	vst v0  }
0x36: {  	[tilespmem:$0x340] =	vst v0  }
0x37: {  	[tilespmem:$0x350] =	vst v0  }
0x38: {  	[tilespmem:$0x360] =	vst v0  }
0x39: {  	[tilespmem:$0x370] =	vst v0  }
0x3a: {  	[tilespmem:$0x380] =	vst v0  }
0x3b: {  	[tilespmem:$0x390] =	vst v0  }
0x3c: {  	[tilespmem:$0x3A0] =	vst v0  }
0x3d: {  	[tilespmem:$0x3B0] =	vst v0  }
0x3e: {  	[tilespmem:$0x3C0] =	vst v0  }
0x3f: {  	[tilespmem:$0x3D0] =	vst v0  }
0x40: {  	[tilespmem:$0x3E0] =	vst v0  }
0x41: {  	[tilespmem:$0x3F0] =	vst v0  }
0x42: {  	[tilespmem:$0x400] =	vst v0  }
0x43: {  	[tilespmem:$0x410] =	vst v0  }
0x44: {  	[tilespmem:$0x420] =	vst v0  }
0x45: {  	[tilespmem:$0x430] =	vst v0  }
0x46: {  	[tilespmem:$0x440] =	vst v0  }
0x47: {  	[tilespmem:$0x450] =	vst v0  }
0x48: {  	[tilespmem:$0x460] =	vst v0  }
0x49: {  	[tilespmem:$0x470] =	vst v0  }
0x4a: {  	[tilespmem:$0x480] =	vst v0  }
0x4b: {  	[tilespmem:$0x490] =	vst v0  }
0x4c: {  	[tilespmem:$0x4A0] =	vst v0  }
0x4d: {  	[tilespmem:$0x4B0] =	vst v0  }
0x4e: {  	[tilespmem:$0x4C0] =	vst v0  }
0x4f: {  	[tilespmem:$0x4D0] =	vst v0  }
0x50: {  	[tilespmem:$0x4E0] =	vst v0  }
0x51: {  	[tilespmem:$0x4F0] =	vst v0  }
0x52: {  	[tilespmem:$0x500] =	vst v0  }
0x53: {  	[tilespmem:$0x510] =	vst v0  }
0x54: {  	[tilespmem:$0x520] =	vst v0  }
0x55: {  	[tilespmem:$0x530] =	vst v0  }
0x56: {  	[tilespmem:$0x540] =	vst v0  }
0x57: {  	[tilespmem:$0x550] =	vst v0  }
0x58: {  	[tilespmem:$0x560] =	vst v0  }
0x59: {  	[tilespmem:$0x570] =	vst v0  }
0x5a: {  	[tilespmem:$0x580] =	vst v0  }
0x5b: {  	[tilespmem:$0x590] =	vst v0  }
0x5c: {  	[tilespmem:$0x5A0] =	vst v0  }
0x5d: {  	[tilespmem:$0x5B0] =	vst v0  }
0x5e: {  	[tilespmem:$0x5C0] =	vst v0  }
0x5f: {  	[tilespmem:$0x5D0] =	vst v0  }
0x60: {  	[tilespmem:$0x5E0] =	vst v0  }
0x61: {  	[tilespmem:$0x5F0] =	vst v0  }
0x62: {  	[tilespmem:$0x600] =	vst v0  }
0x63: {  	[tilespmem:$0x610] =	vst v0  }
0x64: {  	[tilespmem:$0x620] =	vst v0  }
0x65: {  	[tilespmem:$0x630] =	vst v0  }
0x66: {  	[tilespmem:$0x640] =	vst v0  }
0x67: {  	[tilespmem:$0x650] =	vst v0  }
0x68: {  	[tilespmem:$0x660] =	vst v0  }
0x69: {  	[tilespmem:$0x670] =	vst v0  }
0x6a: {  	[tilespmem:$0x680] =	vst v0  }
0x6b: {  	[tilespmem:$0x690] =	vst v0  }
0x6c: {  	[tilespmem:$0x6A0] =	vst v0  }
0x6d: {  	[tilespmem:$0x6B0] =	vst v0  }
0x6e: {  	[tilespmem:$0x6C0] =	vst v0  }
0x6f: {  	[tilespmem:$0x6D0] =	vst v0  }
0x70: {  	[tilespmem:$0x6E0] =	vst v0  }
0x71: {  	[tilespmem:$0x6F0] =	vst v0  }
0x72: {  	[tilespmem:$0x700] =	vst v0  }
0x73: {  	[tilespmem:$0x710] =	vst v0  }
0x74: {  	[tilespmem:$0x720] =	vst v0  }
0x75: {  	[tilespmem:$0x730] =	vst v0  }
0x76: {  	[tilespmem:$0x740] =	vst v0  }
0x77: {  	[tilespmem:$0x750] =	vst v0  }
0x78: {  	[tilespmem:$0x760] =	vst v0  }
0x79: {  	[tilespmem:$0x770] =	vst v0  }
0x7a: {  	[tilespmem:$0x780] =	vst v0  }
0x7b: {  	[tilespmem:$0x790] =	vst v0  }
0x7c: {  	[tilespmem:$0x7A0] =	vst v0  }
0x7d: {  	[tilespmem:$0x7B0] =	vst v0  }
0x7e: {  	[tilespmem:$0x7C0] =	vst v0  }
0x7f: {  	[tilespmem:$0x7D0] =	vst v0  }
0x80: {  	[tilespmem:$0x7E0] =	vst v0  }
0x81: {  	[tilespmem:$0x7F0] =	vst v0  }
0x82: {  	[tilespmem:$0x800] =	vst v0  }
0x83: {  	[tilespmem:$0x810] =	vst v0  }
0x84: {  	[tilespmem:$0x820] =	vst v0  }
0x85: {  	[tilespmem:$0x830] =	vst v0  }
0x86: {  	[tilespmem:$0x840] =	vst v0  }
0x87: {  	[tilespmem:$0x850] =	vst v0  }
0x88: {  	[tilespmem:$0x860] =	vst v0  }
0x89: {  	[tilespmem:$0x870] =	vst v0  }
0x8a: {  	[tilespmem:$0x880] =	vst v0;
	v2 =	vld [tilespmem:$0x0]  }
0x8b: {  	[tilespmem:$0x890] =	vst v0  }
0x8c: {  	[tilespmem:$0x8A0] =	vst v0  }
0x8d: {  	[tilespmem:$0x8B0] =	vst v0  }
0x8e: {  	[tilespmem:$0x8C0] =	vst v0  }
0x8f: {  	[tilespmem:$0x8D0] =	vst v0  }
0x90: {  	[tilespmem:$0x8E0] =	vst v0  }
0x91: {  	[tilespmem:$0x8F0] =	vst v0  }
0x92: {  	[tilespmem:v2+s7+$0x0] =	vst.idx.msk $0xffff, v1  }
0x93: {  	v2 =	vld [tilespmem:$0x10];
	_ =	sdelay $0x7  }
0x94: {  	[tilespmem:v2+s7+$0x0] =	vst.idx.msk $0xffff, v1  }
0x95: {  	v2 =	vld [tilespmem:$0x20];
	_ =	sdelay $0x7  }
0x96: {  	[tilespmem:v2+s7+$0x0] =	vst.idx.msk $0xffff, v1  }
0x97: {  	v2 =	vld [tilespmem:$0x30];
	_ =	sdelay $0x7  }
0x98: {  	[tilespmem:v2+s7+$0x0] =	vst.idx.msk $0xffff, v1  }
0x99: {  	v2 =	vld [tilespmem:$0x40];
	_ =	sdelay $0x7  }
0x9a: {  	[tilespmem:v2+s7+$0x0] =	vst.idx.msk $0xffff, v1  }
0x9b: {  	v2 =	vld [tilespmem:$0x50];
	_ =	sdelay $0x7  }
0x9c: {  	[tilespmem:v2+s7+$0x0] =	vst.idx.msk $0xffff, v1  }
0x9d: {  	v2 =	vld [tilespmem:$0x60];
	_ =	sdelay $0x7  }
0x9e: {  	[tilespmem:v2+s7+$0x0] =	vst.idx.msk $0xffff, v1  }
0x9f: {  	v2 =	vld [tilespmem:$0x70];
	_ =	sdelay $0x7  }
0xa0: {  	[tilespmem:v2+s7+$0x0] =	vst.idx.msk $0xffff, v1  }
0xa1: {  	v2 =	vld [tilespmem:$0x80];
	_ =	sdelay $0x7  }
0xa2: {  	[tilespmem:v2+s7+$0x0] =	vst.idx.msk $0xffff, v1  }
0xa3: {  	v2 =	vld [tilespmem:$0x90];
	_ =	sdelay $0x7  }
0xa4: {  	[tilespmem:v2+s7+$0x0] =	vst.idx.msk $0xffff, v1  }
0xa5: {  	v2 =	vld [tilespmem:$0xA0];
	_ =	sdelay $0x7  }
0xa6: {  	[tilespmem:v2+s7+$0x0] =	vst.idx.msk $0xffff, v1  }
0xa7: {  	v2 =	vld [tilespmem:$0xB0];
	_ =	sdelay $0x7  }
0xa8: {  	[tilespmem:v2+s7+$0x0] =	vst.idx.msk $0xffff, v1  }
0xa9: {  	v2 =	vld [tilespmem:$0xC0];
	_ =	sdelay $0x7  }
0xaa: {  	[tilespmem:v2+s7+$0x0] =	vst.idx.msk $0xffff, v1  }
0xab: {  	v2 =	vld [tilespmem:$0xD0];
	_ =	sdelay $0x7  }
0xac: {  	[tilespmem:v2+s7+$0x0] =	vst.idx.msk $0xffff, v1  }
0xad: {  	v2 =	vld [tilespmem:$0xE0];
	_ =	sdelay $0x7  }
0xae: {  	[tilespmem:v2+s7+$0x0] =	vst.idx.msk $0xffff, v1  }
0xaf: {  	v2 =	vld [tilespmem:$0xF0];
	_ =	sdelay $0x6  }
0xb0: {  	p0 =	sne.s32 s4, $0x1  }
.Ltmp1:
0xb1: {  	[tilespmem:v2+s7+$0x0] =	vst.idx.msk $0xffff, v1;
	(pc) =	sbr.rel @p0 .LBB2_2-.Ltmp1, $4  }
0xb2: {  	[hbm4b:s3+s5] =	stream.linear.scatter [tilespmem:s7], [sflag:$0x1], $0x800, $0x38;
	[tilespmem:$0x900] =	vst v63  }
0xb3: {  	_ =	swait.ge [sflag:s6], $0x800  }
0xb4: {  	[sflag:s6] =	ssyncset.done $0x0  }
0xb5: {  	s4 =	sadd.s32 $0xFFFFFFFF, s4;
	[sflag:s6] =	ssyncadd.s32 $0xFFFFF800  }
.LBB2_3:
0xb6: {  	_ =	sfence.sel $0x180000  }
0xb7: {  	[bflag:$0x0] =	sbarrier.arrive $0xFFFF  }
0xb8: {  	p0 =	sne.s32 s0, $0x0;
	_ =	strace $0x90000047  }
0xb9: {  	s0 =	sadd.s32 @!p0 $0x100000, s1;
	[bflag:$0x2] =	sbarrier.arrive $0xFFFF  }
0xba: {  	[sflag:s0] =	ssyncadd.tile.s32 @!p0 $0x1;
	_ =	shalt  }
.Lfunc_end2:
_tile_overlayer_lowered:
.L_overlay_start_2:
0xbb: {  	(tag) =	ssettag $0x2  }
0xbc: {  	s0 =	rddreg [dreg:$0x0];
	s2 =	stileid.u32  }
0xbd: {  	s1 =	rddreg [dreg:$0x1];
	p0 =	sne.s32 s2, $0x0  }
0xbe: {  	s3 =	rddreg [dreg:$0x2];
	[bflag:$0x3] =	sbarrier.arrive $0xFFFF;
	s2 =	simm.s32 @!p0 $0x1C01  }
0xbf: {  	[timem:s3], [sflag:s2] =	dma.local @!p0 [hbm:s0], s1  }
0xc0: {  	s0 =	simm.s32 @!p0 $0x1  }
0xc1: {  	_ =	swait.ge @!p0 [sflag:s0], s1  }
0xc2: {  	s1 =	ssub.s32 @!p0 $0x0, s1;
	[sflag:s0] =	ssyncset.done @!p0 $0x0  }
0xc3: {  	[sflag:s0] =	ssyncadd.s32 @!p0 s1  }
0xc4: {  	[bflag:$0x3] =	sbarrier.arrive $0xFFFF  }
0xc5: {  	_ =	shalt  }

</sc_bundles>
